<compile_context>
chip_gen: v7x
topology: tpu7x:2x2x1
jax: 0.10.2.dev20260603
libtpu: 0.0.44.dev20260713+nightly
codegen_flags: <defaults>
</compile_context>

<pallas_src>
import functools
import math

import jax
import jax.numpy as jnp
from jax import lax
from jax.experimental import pallas as pl
from jax.experimental.pallas import tpu as pltpu
from jax.experimental.pallas import tpu_sc as plsc

_NUM_CORES = 2
_NUM_SUBCORES = 16
_NUM_WORKERS = _NUM_CORES * _NUM_SUBCORES
_LANES = 16
_BT = 128
_SW = 133
_NBUF = 3


@functools.lru_cache(maxsize=None)
def _make_lookup(V, D, B0, S, W):
    assert B0 == _BT * _NUM_WORKERS, "one output tile-column per worker"
    assert D % 8 == 0 and W >= D
    DT = D // 8
    scale = float(math.sqrt(D))
    mesh = plsc.VectorSubcoreMesh(core_axis_name="c", subcore_axis_name="s")

    @functools.partial(
        pl.kernel,
        mesh=mesh,
        out_type=jax.ShapeDtypeStruct((S, DT, _NUM_WORKERS, 8, _BT),
                                      jnp.float32),
        scratch_types=[
            pltpu.VMEM((S, _BT), jnp.int32),
            pltpu.VMEM((_NBUF * _BT, W), jnp.float32),
            pltpu.VMEM((1, _NBUF * D, _SW), jnp.float32),
            pltpu.SemaphoreType.DMA,
            pltpu.SemaphoreType.DMA,
        ],
        compiler_params=pltpu.CompilerParams(
            use_tc_tiling_on_sc=False, needs_layout_passes=False
        ),
    )
    def lookup(table_hbm, idxt_hbm, out_hbm, idx_v, rows, stage, gsem, ssem):
        wid = lax.axis_index("s") * _NUM_CORES + lax.axis_index("c")
        pltpu.sync_copy(idxt_hbm.at[:, pl.ds(wid * _BT, _BT)], idx_v)

        iota = lax.broadcasted_iota(jnp.int32, (_LANES,), 0)
        zerov = jnp.zeros((_LANES,), jnp.int32)

        def gather_copy(s, slot):
            return pltpu.make_async_copy(
                table_hbm.at[idx_v.at[s]],
                rows.at[pl.ds(slot * _BT, _BT)],
                gsem,
            )

        def scatter_copies(s, slot):
            return [
                pltpu.make_async_copy(
                    stage.at[0, pl.ds(slot * D + dt * 8, 8), pl.ds(0, _BT)],
                    out_hbm.at[s, dt, wid],
                    ssem,
                )
                for dt in range(DT)
            ]

        def transpose_scale(slot):
            dvs = [iota + (slot * D + c * _LANES) for c in range(D // _LANES)]

            @plsc.parallel_loop(0, _BT, 1, unroll=4)
            def _(r):
                rv = zerov + r
                row = slot * _BT + r
                for c in range(D // _LANES):
                    v = rows[row, pl.ds(c * _LANES, _LANES)]
                    plsc.store_scatter(
                        stage, [zerov, dvs[c], rv], v * scale
                    )

        gather_copy(0, 0).start()
        gather_copy(1, 1).start()

        def body(s, carry):
            slot = lax.rem(s, _NBUF)

            @pl.when(s >= 2)
            def _():
                for c in scatter_copies(s - 2, lax.rem(s - 2, _NBUF)):
                    c.wait()

            @pl.when(s + 2 <= S - 1)
            def _():
                gather_copy(s + 2, lax.rem(s + 2, _NBUF)).start()

            gather_copy(s, slot).wait()
            transpose_scale(slot)
            for c in scatter_copies(s, slot):
                c.start()
            return carry

        lax.fori_loop(0, S, body, 0)
        for c in scatter_copies(S - 2, lax.rem(S - 2, _NBUF)):
            c.wait()
        for c in scatter_copies(S - 1, lax.rem(S - 1, _NBUF)):
            c.wait()

    return lookup


def kernel(word_indices, embedding_matrix):
    B0, S = word_indices.shape
    V, D = embedding_matrix.shape
    idxt = word_indices.T.astype(jnp.int32)
    assert D == 64, "kernel specialized for 128-word padded row pitch"
    table = jnp.pad(embedding_matrix, ((0, 0), (0, 128 - D)))
    table2 = table.reshape(2 * V, D)
    idxt = idxt * 2
    lookup = _make_lookup(2 * V, D, B0, S, D)
    out5 = lookup(table2, idxt)
    out = out5.transpose(2, 4, 0, 1, 3).reshape(B0, S, D)
    return out

# --- scband reference (transcript-rebuilt; emitter-appended) ---
"""Pipeline reference for scband-pretrained-embedding-55207509623157 (READ-ONLY COPY).

The authoritative reference and input builder live on the scoring server;
editing this copy changes nothing except your own understanding.
"""

import jax, jax.numpy as jnp
import numpy as np

VOCAB = 1000000
EMBED_DIM = 64
BATCH = 4096
SEQ = 200


def setup_inputs(seed: int = 0) -> dict:
    key = jax.random.key(seed)
    k1, k2 = jax.random.split(key)
    word_indices = jax.random.randint(k1, (BATCH, SEQ), 0, VOCAB, dtype=jnp.int64 if jax.config.jax_enable_x64 else jnp.int32)
    embedding_matrix = jax.random.normal(k2, (VOCAB, EMBED_DIM), dtype=jnp.float32)
    return {"word_indices": word_indices, "embedding_matrix": embedding_matrix}


def reference(word_indices, embedding_matrix):
    # PretrainedEmbedding.forward: embedding lookup scaled by sqrt(embed_dim)
    embed_dim = embedding_matrix.shape[1]
    scale = jnp.sqrt(jnp.asarray(embed_dim, dtype=jnp.float32))
    out = jnp.take(embedding_matrix, word_indices, axis=0) * scale
    return out

if __name__ == "__main__":
    import jax
    _d = setup_inputs()
    print(jax.jit(kernel)(*tuple(_d.values())))

</pallas_src>

<mosaic_0001>
#map = affine_map<(d0, d1) -> (0, 0)>
#map1 = affine_map<(d0, d1) -> (0, 0, 0, 0, 0)>
module attributes {stable_mosaic.version = 14 : i64} {
  func.func @lookup(%arg0: i32, %arg1: i32, %arg2: memref<2000000x64xf32, #tpu.memory_space<hbm>>, %arg3: memref<200x4096xi32, #tpu.memory_space<hbm>>, %arg4: memref<200x8x32x8x128xf32, #tpu.memory_space<hbm>>, %arg5: memref<200x128xi32, #tpu.memory_space<vmem>>, %arg6: memref<384x64xf32, #tpu.memory_space<vmem>>, %arg7: memref<1x192x133xf32, #tpu.memory_space<vmem>>, %arg8: memref<!tpu.dma_semaphore, #tpu.memory_space<semaphore_mem>>, %arg9: memref<!tpu.dma_semaphore, #tpu.memory_space<semaphore_mem>>) attributes {dimension_semantics = [#tpu.dimension_semantics<core_parallel>, #tpu.dimension_semantics<subcore_parallel>], iteration_bounds = array<i64: 2, 16>, scalar_prefetch = 0 : i64, scratch_operands = 5 : i64, tpu.core_type = #tpu.core_type<sc_vector_subcore>, window_params = [{transform_indices = #map}, {transform_indices = #map}, {transform_indices = #map1}]} {
    %mul3A = arith.constant 2 : i32
    %mul3A_0 = arith.muli %arg1, %mul3A : i32
    %add3A = arith.addi %mul3A_0, %arg0 : i32
    %mul3A_1 = arith.constant 128 : i32
    %mul3A_2 = arith.muli %add3A, %mul3A_1 : i32
    "tpu.region"() ({
      %run_scoped3A = tpu.sem_alloc : memref<!tpu.dma_semaphore, #tpu.memory_space<semaphore_mem>>
      %dma_start3A_368 = arith.constant 0 : i32
      %dma_start3A_369 = tpu.memref_slice %arg3[%dma_start3A_368, %mul3A_2] : memref<200x4096xi32, #tpu.memory_space<hbm>> -> memref<200x128xi32, #tpu.memory_space<hbm>>
      %dma_start3A_370 = arith.constant 0 : i32
      %dma_start3A_371 = tpu.memref_slice %arg3[%dma_start3A_370, %mul3A_2] : memref<200x4096xi32, #tpu.memory_space<hbm>> -> memref<200x128xi32, #tpu.memory_space<hbm>>
      tpu.enqueue_dma source(%dma_start3A_371 : memref<200x128xi32, #tpu.memory_space<hbm>>) target(%arg5 : memref<200x128xi32, #tpu.memory_space<vmem>>) target_semaphore(%run_scoped3A : memref<!tpu.dma_semaphore, #tpu.memory_space<semaphore_mem>>)
      %dma_wait3A_372 = arith.constant 0 : i32
      %dma_wait3A_373 = tpu.memref_slice %arg3[%dma_wait3A_372, %mul3A_2] : memref<200x4096xi32, #tpu.memory_space<hbm>> -> memref<200x128xi32, #tpu.memory_space<hbm>>
      %dma_wait3A_374 = arith.constant 0 : i32
      %dma_wait3A_375 = tpu.memref_slice %arg3[%dma_wait3A_374, %mul3A_2] : memref<200x4096xi32, #tpu.memory_space<hbm>> -> memref<200x128xi32, #tpu.memory_space<hbm>>
      tpu.wait_dma2 semaphore(%run_scoped3A : memref<!tpu.dma_semaphore, #tpu.memory_space<semaphore_mem>>) src(%dma_wait3A_375 : memref<200x128xi32, #tpu.memory_space<hbm>>) dst(%arg5 : memref<200x128xi32, #tpu.memory_space<vmem>>)
      tpu.yield
    }) : () -> ()
    %iota3A = tpu.iota {dimensions = array<i32: 0>} : vector<16xi32>
    %broadcast_in_dim3A = arith.constant 0 : i32
    %broadcast_in_dim3A_3 = vector.broadcast %broadcast_in_dim3A : i32 to vector<16xi32>
    %dma_start3A = arith.constant 0 : i32
    %dma_start3A_4 = arith.constant 0 : i32
    %dma_start3A_5 = arith.constant 0 : i32
    %dma_start3A_6 = tpu.memref_slice %arg6[%dma_start3A_4, %dma_start3A_5] : memref<384x64xf32, #tpu.memory_space<vmem>> -> memref<128x64xf32, #tpu.memory_space<vmem>>
    %dma_start3A_7 = arith.constant 0 : i32
    %dma_start3A_8 = tpu.memref_slice %arg5[%dma_start3A, %dma_start3A_7] : memref<200x128xi32, #tpu.memory_space<vmem>> -> memref<1x128xi32, #tpu.memory_space<vmem>>
    %dma_start3A_9 = tpu.memref_squeeze %dma_start3A_8 : memref<1x128xi32, #tpu.memory_space<vmem>> -> memref<128xi32, #tpu.memory_space<vmem>>
    %dma_start3A_10 = arith.constant 0 : i32
    %dma_start3A_11 = arith.constant 0 : i32
    %dma_start3A_12 = tpu.memref_slice %arg2[%dma_start3A_10, %dma_start3A_11] : memref<2000000x64xf32, #tpu.memory_space<hbm>> -> memref<2000000x64xf32, #tpu.memory_space<hbm>>
    tpu.enqueue_indirect_dma source(%dma_start3A_12 : memref<2000000x64xf32, #tpu.memory_space<hbm>>) target(%dma_start3A_6 : memref<128x64xf32, #tpu.memory_space<vmem>>) offsets(%dma_start3A_9 : memref<128xi32, #tpu.memory_space<vmem>>) semaphore(%arg8 : memref<!tpu.dma_semaphore, #tpu.memory_space<semaphore_mem>>)
    %dma_start3A_13 = arith.constant 1 : i32
    %dma_start3A_14 = arith.constant 128 : i32
    %dma_start3A_15 = arith.constant 0 : i32
    %dma_start3A_16 = tpu.memref_slice %arg6[%dma_start3A_14, %dma_start3A_15] : memref<384x64xf32, #tpu.memory_space<vmem>> -> memref<128x64xf32, #tpu.memory_space<vmem>>
    %dma_start3A_17 = arith.constant 0 : i32
    %dma_start3A_18 = tpu.memref_slice %arg5[%dma_start3A_13, %dma_start3A_17] : memref<200x128xi32, #tpu.memory_space<vmem>> -> memref<1x128xi32, #tpu.memory_space<vmem>>
    %dma_start3A_19 = tpu.memref_squeeze %dma_start3A_18 : memref<1x128xi32, #tpu.memory_space<vmem>> -> memref<128xi32, #tpu.memory_space<vmem>>
    %dma_start3A_20 = arith.constant 0 : i32
    %dma_start3A_21 = arith.constant 0 : i32
    %dma_start3A_22 = tpu.memref_slice %arg2[%dma_start3A_20, %dma_start3A_21] : memref<2000000x64xf32, #tpu.memory_space<hbm>> -> memref<2000000x64xf32, #tpu.memory_space<hbm>>
    tpu.enqueue_indirect_dma source(%dma_start3A_22 : memref<2000000x64xf32, #tpu.memory_space<hbm>>) target(%dma_start3A_16 : memref<128x64xf32, #tpu.memory_space<vmem>>) offsets(%dma_start3A_19 : memref<128xi32, #tpu.memory_space<vmem>>) semaphore(%arg8 : memref<!tpu.dma_semaphore, #tpu.memory_space<semaphore_mem>>)
    %scan3A = arith.constant 0 : i32
    %scan3A_23 = arith.constant 0 : i32
    %scan3A_24 = arith.constant 200 : i32
    %scan3A_25 = arith.addi %scan3A_23, %scan3A_24 : i32
    %scan3A_26 = arith.constant 1 : i32
    scf.for %scan3A_368 = %scan3A_23 to %scan3A_25 step %scan3A_26  : i32 {
      %rem3A_369 = arith.constant 3 : i32
      %rem3A_370 = arith.remsi %scan3A_368, %rem3A_369 : i32
      %ge3A = arith.constant 2 : i32
      %ge3A_371 = arith.cmpi sge, %scan3A_368, %ge3A : i32
      %convert_element_type3A = arith.extui %ge3A_371 : i1 to i32
      %cond3A = arith.constant 0 : i32
      %cond3A_372 = arith.cmpi ne, %convert_element_type3A, %cond3A : i32
      scf.if %cond3A_372 {
        %sub3A = arith.constant 2 : i32
        %sub3A_575 = arith.subi %scan3A_368, %sub3A : i32
        %sub3A_576 = arith.constant 2 : i32
        %sub3A_577 = arith.subi %scan3A_368, %sub3A_576 : i32
        %rem3A_578 = arith.constant 3 : i32
        %rem3A_579 = arith.remsi %sub3A_577, %rem3A_578 : i32
        %mul3A_580 = arith.constant 64 : i32
        %mul3A_581 = arith.muli %rem3A_579, %mul3A_580 : i32
        %add3A_582 = arith.constant 0 : i32
        %add3A_583 = arith.addi %mul3A_581, %add3A_582 : i32
        %mul3A_584 = arith.constant 64 : i32
        %mul3A_585 = arith.muli %rem3A_579, %mul3A_584 : i32
        %add3A_586 = arith.constant 8 : i32
        %add3A_587 = arith.addi %mul3A_585, %add3A_586 : i32
        %mul3A_588 = arith.constant 64 : i32
        %mul3A_589 = arith.muli %rem3A_579, %mul3A_588 : i32
        %add3A_590 = arith.constant 16 : i32
        %add3A_591 = arith.addi %mul3A_589, %add3A_590 : i32
        %mul3A_592 = arith.constant 64 : i32
        %mul3A_593 = arith.muli %rem3A_579, %mul3A_592 : i32
        %add3A_594 = arith.constant 24 : i32
        %add3A_595 = arith.addi %mul3A_593, %add3A_594 : i32
        %mul3A_596 = arith.constant 64 : i32
        %mul3A_597 = arith.muli %rem3A_579, %mul3A_596 : i32
        %add3A_598 = arith.constant 32 : i32
        %add3A_599 = arith.addi %mul3A_597, %add3A_598 : i32
        %mul3A_600 = arith.constant 64 : i32
        %mul3A_601 = arith.muli %rem3A_579, %mul3A_600 : i32
        %add3A_602 = arith.constant 40 : i32
        %add3A_603 = arith.addi %mul3A_601, %add3A_602 : i32
        %mul3A_604 = arith.constant 64 : i32
        %mul3A_605 = arith.muli %rem3A_579, %mul3A_604 : i32
        %add3A_606 = arith.constant 48 : i32
        %add3A_607 = arith.addi %mul3A_605, %add3A_606 : i32
        %mul3A_608 = arith.constant 64 : i32
        %mul3A_609 = arith.muli %rem3A_579, %mul3A_608 : i32
        %add3A_610 = arith.constant 56 : i32
        %add3A_611 = arith.addi %mul3A_609, %add3A_610 : i32
        %dma_wait3A_612 = arith.constant 0 : i32
        %dma_wait3A_613 = arith.constant 0 : i32
        %dma_wait3A_614 = arith.constant 0 : i32
        %dma_wait3A_615 = tpu.memref_slice %arg7[%dma_wait3A_612, %add3A_583, %dma_wait3A_614] : memref<1x192x133xf32, #tpu.memory_space<vmem>> -> memref<1x8x128xf32, #tpu.memory_space<vmem>>
        %dma_wait3A_616 = tpu.memref_squeeze %dma_wait3A_615 : memref<1x8x128xf32, #tpu.memory_space<vmem>> -> memref<8x128xf32, #tpu.memory_space<vmem>>
        %dma_wait3A_617 = arith.constant 0 : i32
        %dma_wait3A_618 = arith.constant 0 : i32
        %dma_wait3A_619 = tpu.memref_slice %arg4[%sub3A_575, %dma_wait3A_613, %add3A, %dma_wait3A_617, %dma_wait3A_618] : memref<200x8x32x8x128xf32, #tpu.memory_space<hbm>> -> memref<1x1x1x8x128xf32, #tpu.memory_space<hbm>>
        %dma_wait3A_620 = tpu.memref_squeeze %dma_wait3A_619 : memref<1x1x1x8x128xf32, #tpu.memory_space<hbm>> -> memref<8x128xf32, #tpu.memory_space<hbm>>
        %dma_wait3A_621 = arith.constant 0 : i32
        %dma_wait3A_622 = arith.constant 0 : i32
        %dma_wait3A_623 = tpu.memref_slice %arg4[%sub3A_575, %dma_wait3A_613, %add3A, %dma_wait3A_621, %dma_wait3A_622] : memref<200x8x32x8x128xf32, #tpu.memory_space<hbm>> -> memref<1x1x1x8x128xf32, #tpu.memory_space<hbm>>
        %dma_wait3A_624 = tpu.memref_squeeze %dma_wait3A_623 : memref<1x1x1x8x128xf32, #tpu.memory_space<hbm>> -> memref<8x128xf32, #tpu.memory_space<hbm>>
        %dma_wait3A_625 = arith.constant 0 : i32
        %dma_wait3A_626 = tpu.memref_slice %arg7[%dma_wait3A_612, %add3A_583, %dma_wait3A_625] : memref<1x192x133xf32, #tpu.memory_space<vmem>> -> memref<1x8x128xf32, #tpu.memory_space<vmem>>
        %dma_wait3A_627 = tpu.memref_squeeze %dma_wait3A_626 : memref<1x8x128xf32, #tpu.memory_space<vmem>> -> memref<8x128xf32, #tpu.memory_space<vmem>>
        tpu.wait_dma2 semaphore(%arg9 : memref<!tpu.dma_semaphore, #tpu.memory_space<semaphore_mem>>) src(%dma_wait3A_627 : memref<8x128xf32, #tpu.memory_space<vmem>>) dst(%dma_wait3A_624 : memref<8x128xf32, #tpu.memory_space<hbm>>)
        %dma_wait3A_628 = arith.constant 0 : i32
        %dma_wait3A_629 = arith.constant 1 : i32
        %dma_wait3A_630 = arith.constant 0 : i32
        %dma_wait3A_631 = tpu.memref_slice %arg7[%dma_wait3A_628, %add3A_587, %dma_wait3A_630] : memref<1x192x133xf32, #tpu.memory_space<vmem>> -> memref<1x8x128xf32, #tpu.memory_space<vmem>>
        %dma_wait3A_632 = tpu.memref_squeeze %dma_wait3A_631 : memref<1x8x128xf32, #tpu.memory_space<vmem>> -> memref<8x128xf32, #tpu.memory_space<vmem>>
        %dma_wait3A_633 = arith.constant 0 : i32
        %dma_wait3A_634 = arith.constant 0 : i32
        %dma_wait3A_635 = tpu.memref_slice %arg4[%sub3A_575, %dma_wait3A_629, %add3A, %dma_wait3A_633, %dma_wait3A_634] : memref<200x8x32x8x128xf32, #tpu.memory_space<hbm>> -> memref<1x1x1x8x128xf32, #tpu.memory_space<hbm>>
        %dma_wait3A_636 = tpu.memref_squeeze %dma_wait3A_635 : memref<1x1x1x8x128xf32, #tpu.memory_space<hbm>> -> memref<8x128xf32, #tpu.memory_space<hbm>>
        %dma_wait3A_637 = arith.constant 0 : i32
        %dma_wait3A_638 = arith.constant 0 : i32
        %dma_wait3A_639 = tpu.memref_slice %arg4[%sub3A_575, %dma_wait3A_629, %add3A, %dma_wait3A_637, %dma_wait3A_638] : memref<200x8x32x8x128xf32, #tpu.memory_space<hbm>> -> memref<1x1x1x8x128xf32, #tpu.memory_space<hbm>>
        %dma_wait3A_640 = tpu.memref_squeeze %dma_wait3A_639 : memref<1x1x1x8x128xf32, #tpu.memory_space<hbm>> -> memref<8x128xf32, #tpu.memory_space<hbm>>
        %dma_wait3A_641 = arith.constant 0 : i32
        %dma_wait3A_642 = tpu.memref_slice %arg7[%dma_wait3A_628, %add3A_587, %dma_wait3A_641] : memref<1x192x133xf32, #tpu.memory_space<vmem>> -> memref<1x8x128xf32, #tpu.memory_space<vmem>>
        %dma_wait3A_643 = tpu.memref_squeeze %dma_wait3A_642 : memref<1x8x128xf32, #tpu.memory_space<vmem>> -> memref<8x128xf32, #tpu.memory_space<vmem>>
        tpu.wait_dma2 semaphore(%arg9 : memref<!tpu.dma_semaphore, #tpu.memory_space<semaphore_mem>>) src(%dma_wait3A_643 : memref<8x128xf32, #tpu.memory_space<vmem>>) dst(%dma_wait3A_640 : memref<8x128xf32, #tpu.memory_space<hbm>>)
        %dma_wait3A_644 = arith.constant 0 : i32
        %dma_wait3A_645 = arith.constant 2 : i32
        %dma_wait3A_646 = arith.constant 0 : i32
        %dma_wait3A_647 = tpu.memref_slice %arg7[%dma_wait3A_644, %add3A_591, %dma_wait3A_646] : memref<1x192x133xf32, #tpu.memory_space<vmem>> -> memref<1x8x128xf32, #tpu.memory_space<vmem>>
        %dma_wait3A_648 = tpu.memref_squeeze %dma_wait3A_647 : memref<1x8x128xf32, #tpu.memory_space<vmem>> -> memref<8x128xf32, #tpu.memory_space<vmem>>
        %dma_wait3A_649 = arith.constant 0 : i32
        %dma_wait3A_650 = arith.constant 0 : i32
        %dma_wait3A_651 = tpu.memref_slice %arg4[%sub3A_575, %dma_wait3A_645, %add3A, %dma_wait3A_649, %dma_wait3A_650] : memref<200x8x32x8x128xf32, #tpu.memory_space<hbm>> -> memref<1x1x1x8x128xf32, #tpu.memory_space<hbm>>
        %dma_wait3A_652 = tpu.memref_squeeze %dma_wait3A_651 : memref<1x1x1x8x128xf32, #tpu.memory_space<hbm>> -> memref<8x128xf32, #tpu.memory_space<hbm>>
        %dma_wait3A_653 = arith.constant 0 : i32
        %dma_wait3A_654 = arith.constant 0 : i32
        %dma_wait3A_655 = tpu.memref_slice %arg4[%sub3A_575, %dma_wait3A_645, %add3A, %dma_wait3A_653, %dma_wait3A_654] : memref<200x8x32x8x128xf32, #tpu.memory_space<hbm>> -> memref<1x1x1x8x128xf32, #tpu.memory_space<hbm>>
        %dma_wait3A_656 = tpu.memref_squeeze %dma_wait3A_655 : memref<1x1x1x8x128xf32, #tpu.memory_space<hbm>> -> memref<8x128xf32, #tpu.memory_space<hbm>>
        %dma_wait3A_657 = arith.constant 0 : i32
        %dma_wait3A_658 = tpu.memref_slice %arg7[%dma_wait3A_644, %add3A_591, %dma_wait3A_657] : memref<1x192x133xf32, #tpu.memory_space<vmem>> -> memref<1x8x128xf32, #tpu.memory_space<vmem>>
        %dma_wait3A_659 = tpu.memref_squeeze %dma_wait3A_658 : memref<1x8x128xf32, #tpu.memory_space<vmem>> -> memref<8x128xf32, #tpu.memory_space<vmem>>
        tpu.wait_dma2 semaphore(%arg9 : memref<!tpu.dma_semaphore, #tpu.memory_space<semaphore_mem>>) src(%dma_wait3A_659 : memref<8x128xf32, #tpu.memory_space<vmem>>) dst(%dma_wait3A_656 : memref<8x128xf32, #tpu.memory_space<hbm>>)
        %dma_wait3A_660 = arith.constant 0 : i32
        %dma_wait3A_661 = arith.constant 3 : i32
        %dma_wait3A_662 = arith.constant 0 : i32
        %dma_wait3A_663 = tpu.memref_slice %arg7[%dma_wait3A_660, %add3A_595, %dma_wait3A_662] : memref<1x192x133xf32, #tpu.memory_space<vmem>> -> memref<1x8x128xf32, #tpu.memory_space<vmem>>
        %dma_wait3A_664 = tpu.memref_squeeze %dma_wait3A_663 : memref<1x8x128xf32, #tpu.memory_space<vmem>> -> memref<8x128xf32, #tpu.memory_space<vmem>>
        %dma_wait3A_665 = arith.constant 0 : i32
        %dma_wait3A_666 = arith.constant 0 : i32
        %dma_wait3A_667 = tpu.memref_slice %arg4[%sub3A_575, %dma_wait3A_661, %add3A, %dma_wait3A_665, %dma_wait3A_666] : memref<200x8x32x8x128xf32, #tpu.memory_space<hbm>> -> memref<1x1x1x8x128xf32, #tpu.memory_space<hbm>>
        %dma_wait3A_668 = tpu.memref_squeeze %dma_wait3A_667 : memref<1x1x1x8x128xf32, #tpu.memory_space<hbm>> -> memref<8x128xf32, #tpu.memory_space<hbm>>
        %dma_wait3A_669 = arith.constant 0 : i32
        %dma_wait3A_670 = arith.constant 0 : i32
        %dma_wait3A_671 = tpu.memref_slice %arg4[%sub3A_575, %dma_wait3A_661, %add3A, %dma_wait3A_669, %dma_wait3A_670] : memref<200x8x32x8x128xf32, #tpu.memory_space<hbm>> -> memref<1x1x1x8x128xf32, #tpu.memory_space<hbm>>
        %dma_wait3A_672 = tpu.memref_squeeze %dma_wait3A_671 : memref<1x1x1x8x128xf32, #tpu.memory_space<hbm>> -> memref<8x128xf32, #tpu.memory_space<hbm>>
        %dma_wait3A_673 = arith.constant 0 : i32
        %dma_wait3A_674 = tpu.memref_slice %arg7[%dma_wait3A_660, %add3A_595, %dma_wait3A_673] : memref<1x192x133xf32, #tpu.memory_space<vmem>> -> memref<1x8x128xf32, #tpu.memory_space<vmem>>
        %dma_wait3A_675 = tpu.memref_squeeze %dma_wait3A_674 : memref<1x8x128xf32, #tpu.memory_space<vmem>> -> memref<8x128xf32, #tpu.memory_space<vmem>>
        tpu.wait_dma2 semaphore(%arg9 : memref<!tpu.dma_semaphore, #tpu.memory_space<semaphore_mem>>) src(%dma_wait3A_675 : memref<8x128xf32, #tpu.memory_space<vmem>>) dst(%dma_wait3A_672 : memref<8x128xf32, #tpu.memory_space<hbm>>)
        %dma_wait3A_676 = arith.constant 0 : i32
        %dma_wait3A_677 = arith.constant 4 : i32
        %dma_wait3A_678 = arith.constant 0 : i32
        %dma_wait3A_679 = tpu.memref_slice %arg7[%dma_wait3A_676, %add3A_599, %dma_wait3A_678] : memref<1x192x133xf32, #tpu.memory_space<vmem>> -> memref<1x8x128xf32, #tpu.memory_space<vmem>>
        %dma_wait3A_680 = tpu.memref_squeeze %dma_wait3A_679 : memref<1x8x128xf32, #tpu.memory_space<vmem>> -> memref<8x128xf32, #tpu.memory_space<vmem>>
        %dma_wait3A_681 = arith.constant 0 : i32
        %dma_wait3A_682 = arith.constant 0 : i32
        %dma_wait3A_683 = tpu.memref_slice %arg4[%sub3A_575, %dma_wait3A_677, %add3A, %dma_wait3A_681, %dma_wait3A_682] : memref<200x8x32x8x128xf32, #tpu.memory_space<hbm>> -> memref<1x1x1x8x128xf32, #tpu.memory_space<hbm>>
        %dma_wait3A_684 = tpu.memref_squeeze %dma_wait3A_683 : memref<1x1x1x8x128xf32, #tpu.memory_space<hbm>> -> memref<8x128xf32, #tpu.memory_space<hbm>>
        %dma_wait3A_685 = arith.constant 0 : i32
        %dma_wait3A_686 = arith.constant 0 : i32
        %dma_wait3A_687 = tpu.memref_slice %arg4[%sub3A_575, %dma_wait3A_677, %add3A, %dma_wait3A_685, %dma_wait3A_686] : memref<200x8x32x8x128xf32, #tpu.memory_space<hbm>> -> memref<1x1x1x8x128xf32, #tpu.memory_space<hbm>>
        %dma_wait3A_688 = tpu.memref_squeeze %dma_wait3A_687 : memref<1x1x1x8x128xf32, #tpu.memory_space<hbm>> -> memref<8x128xf32, #tpu.memory_space<hbm>>
        %dma_wait3A_689 = arith.constant 0 : i32
        %dma_wait3A_690 = tpu.memref_slice %arg7[%dma_wait3A_676, %add3A_599, %dma_wait3A_689] : memref<1x192x133xf32, #tpu.memory_space<vmem>> -> memref<1x8x128xf32, #tpu.memory_space<vmem>>
        %dma_wait3A_691 = tpu.memref_squeeze %dma_wait3A_690 : memref<1x8x128xf32, #tpu.memory_space<vmem>> -> memref<8x128xf32, #tpu.memory_space<vmem>>
        tpu.wait_dma2 semaphore(%arg9 : memref<!tpu.dma_semaphore, #tpu.memory_space<semaphore_mem>>) src(%dma_wait3A_691 : memref<8x128xf32, #tpu.memory_space<vmem>>) dst(%dma_wait3A_688 : memref<8x128xf32, #tpu.memory_space<hbm>>)
        %dma_wait3A_692 = arith.constant 0 : i32
        %dma_wait3A_693 = arith.constant 5 : i32
        %dma_wait3A_694 = arith.constant 0 : i32
        %dma_wait3A_695 = tpu.memref_slice %arg7[%dma_wait3A_692, %add3A_603, %dma_wait3A_694] : memref<1x192x133xf32, #tpu.memory_space<vmem>> -> memref<1x8x128xf32, #tpu.memory_space<vmem>>
        %dma_wait3A_696 = tpu.memref_squeeze %dma_wait3A_695 : memref<1x8x128xf32, #tpu.memory_space<vmem>> -> memref<8x128xf32, #tpu.memory_space<vmem>>
        %dma_wait3A_697 = arith.constant 0 : i32
        %dma_wait3A_698 = arith.constant 0 : i32
        %dma_wait3A_699 = tpu.memref_slice %arg4[%sub3A_575, %dma_wait3A_693, %add3A, %dma_wait3A_697, %dma_wait3A_698] : memref<200x8x32x8x128xf32, #tpu.memory_space<hbm>> -> memref<1x1x1x8x128xf32, #tpu.memory_space<hbm>>
        %dma_wait3A_700 = tpu.memref_squeeze %dma_wait3A_699 : memref<1x1x1x8x128xf32, #tpu.memory_space<hbm>> -> memref<8x128xf32, #tpu.memory_space<hbm>>
        %dma_wait3A_701 = arith.constant 0 : i32
        %dma_wait3A_702 = arith.constant 0 : i32
        %dma_wait3A_703 = tpu.memref_slice %arg4[%sub3A_575, %dma_wait3A_693, %add3A, %dma_wait3A_701, %dma_wait3A_702] : memref<200x8x32x8x128xf32, #tpu.memory_space<hbm>> -> memref<1x1x1x8x128xf32, #tpu.memory_space<hbm>>
        %dma_wait3A_704 = tpu.memref_squeeze %dma_wait3A_703 : memref<1x1x1x8x128xf32, #tpu.memory_space<hbm>> -> memref<8x128xf32, #tpu.memory_space<hbm>>
        %dma_wait3A_705 = arith.constant 0 : i32
        %dma_wait3A_706 = tpu.memref_slice %arg7[%dma_wait3A_692, %add3A_603, %dma_wait3A_705] : memref<1x192x133xf32, #tpu.memory_space<vmem>> -> memref<1x8x128xf32, #tpu.memory_space<vmem>>
        %dma_wait3A_707 = tpu.memref_squeeze %dma_wait3A_706 : memref<1x8x128xf32, #tpu.memory_space<vmem>> -> memref<8x128xf32, #tpu.memory_space<vmem>>
        tpu.wait_dma2 semaphore(%arg9 : memref<!tpu.dma_semaphore, #tpu.memory_space<semaphore_mem>>) src(%dma_wait3A_707 : memref<8x128xf32, #tpu.memory_space<vmem>>) dst(%dma_wait3A_704 : memref<8x128xf32, #tpu.memory_space<hbm>>)
        %dma_wait3A_708 = arith.constant 0 : i32
        %dma_wait3A_709 = arith.constant 6 : i32
        %dma_wait3A_710 = arith.constant 0 : i32
        %dma_wait3A_711 = tpu.memref_slice %arg7[%dma_wait3A_708, %add3A_607, %dma_wait3A_710] : memref<1x192x133xf32, #tpu.memory_space<vmem>> -> memref<1x8x128xf32, #tpu.memory_space<vmem>>
        %dma_wait3A_712 = tpu.memref_squeeze %dma_wait3A_711 : memref<1x8x128xf32, #tpu.memory_space<vmem>> -> memref<8x128xf32, #tpu.memory_space<vmem>>
        %dma_wait3A_713 = arith.constant 0 : i32
        %dma_wait3A_714 = arith.constant 0 : i32
        %dma_wait3A_715 = tpu.memref_slice %arg4[%sub3A_575, %dma_wait3A_709, %add3A, %dma_wait3A_713, %dma_wait3A_714] : memref<200x8x32x8x128xf32, #tpu.memory_space<hbm>> -> memref<1x1x1x8x128xf32, #tpu.memory_space<hbm>>
        %dma_wait3A_716 = tpu.memref_squeeze %dma_wait3A_715 : memref<1x1x1x8x128xf32, #tpu.memory_space<hbm>> -> memref<8x128xf32, #tpu.memory_space<hbm>>
        %dma_wait3A_717 = arith.constant 0 : i32
        %dma_wait3A_718 = arith.constant 0 : i32
        %dma_wait3A_719 = tpu.memref_slice %arg4[%sub3A_575, %dma_wait3A_709, %add3A, %dma_wait3A_717, %dma_wait3A_718] : memref<200x8x32x8x128xf32, #tpu.memory_space<hbm>> -> memref<1x1x1x8x128xf32, #tpu.memory_space<hbm>>
        %dma_wait3A_720 = tpu.memref_squeeze %dma_wait3A_719 : memref<1x1x1x8x128xf32, #tpu.memory_space<hbm>> -> memref<8x128xf32, #tpu.memory_space<hbm>>
        %dma_wait3A_721 = arith.constant 0 : i32
        %dma_wait3A_722 = tpu.memref_slice %arg7[%dma_wait3A_708, %add3A_607, %dma_wait3A_721] : memref<1x192x133xf32, #tpu.memory_space<vmem>> -> memref<1x8x128xf32, #tpu.memory_space<vmem>>
        %dma_wait3A_723 = tpu.memref_squeeze %dma_wait3A_722 : memref<1x8x128xf32, #tpu.memory_space<vmem>> -> memref<8x128xf32, #tpu.memory_space<vmem>>
        tpu.wait_dma2 semaphore(%arg9 : memref<!tpu.dma_semaphore, #tpu.memory_space<semaphore_mem>>) src(%dma_wait3A_723 : memref<8x128xf32, #tpu.memory_space<vmem>>) dst(%dma_wait3A_720 : memref<8x128xf32, #tpu.memory_space<hbm>>)
        %dma_wait3A_724 = arith.constant 0 : i32
        %dma_wait3A_725 = arith.constant 7 : i32
        %dma_wait3A_726 = arith.constant 0 : i32
        %dma_wait3A_727 = tpu.memref_slice %arg7[%dma_wait3A_724, %add3A_611, %dma_wait3A_726] : memref<1x192x133xf32, #tpu.memory_space<vmem>> -> memref<1x8x128xf32, #tpu.memory_space<vmem>>
        %dma_wait3A_728 = tpu.memref_squeeze %dma_wait3A_727 : memref<1x8x128xf32, #tpu.memory_space<vmem>> -> memref<8x128xf32, #tpu.memory_space<vmem>>
        %dma_wait3A_729 = arith.constant 0 : i32
        %dma_wait3A_730 = arith.constant 0 : i32
        %dma_wait3A_731 = tpu.memref_slice %arg4[%sub3A_575, %dma_wait3A_725, %add3A, %dma_wait3A_729, %dma_wait3A_730] : memref<200x8x32x8x128xf32, #tpu.memory_space<hbm>> -> memref<1x1x1x8x128xf32, #tpu.memory_space<hbm>>
        %dma_wait3A_732 = tpu.memref_squeeze %dma_wait3A_731 : memref<1x1x1x8x128xf32, #tpu.memory_space<hbm>> -> memref<8x128xf32, #tpu.memory_space<hbm>>
        %dma_wait3A_733 = arith.constant 0 : i32
        %dma_wait3A_734 = arith.constant 0 : i32
        %dma_wait3A_735 = tpu.memref_slice %arg4[%sub3A_575, %dma_wait3A_725, %add3A, %dma_wait3A_733, %dma_wait3A_734] : memref<200x8x32x8x128xf32, #tpu.memory_space<hbm>> -> memref<1x1x1x8x128xf32, #tpu.memory_space<hbm>>
        %dma_wait3A_736 = tpu.memref_squeeze %dma_wait3A_735 : memref<1x1x1x8x128xf32, #tpu.memory_space<hbm>> -> memref<8x128xf32, #tpu.memory_space<hbm>>
        %dma_wait3A_737 = arith.constant 0 : i32
        %dma_wait3A_738 = tpu.memref_slice %arg7[%dma_wait3A_724, %add3A_611, %dma_wait3A_737] : memref<1x192x133xf32, #tpu.memory_space<vmem>> -> memref<1x8x128xf32, #tpu.memory_space<vmem>>
        %dma_wait3A_739 = tpu.memref_squeeze %dma_wait3A_738 : memref<1x8x128xf32, #tpu.memory_space<vmem>> -> memref<8x128xf32, #tpu.memory_space<vmem>>
        tpu.wait_dma2 semaphore(%arg9 : memref<!tpu.dma_semaphore, #tpu.memory_space<semaphore_mem>>) src(%dma_wait3A_739 : memref<8x128xf32, #tpu.memory_space<vmem>>) dst(%dma_wait3A_736 : memref<8x128xf32, #tpu.memory_space<hbm>>)
      } else {
      }
      %add3A_373 = arith.constant 2 : i32
      %add3A_374 = arith.addi %scan3A_368, %add3A_373 : i32
      %le3A = arith.constant 199 : i32
      %le3A_375 = arith.cmpi sle, %add3A_374, %le3A : i32
      %convert_element_type3A_376 = arith.extui %le3A_375 : i1 to i32
      %cond3A_377 = arith.constant 0 : i32
      %cond3A_378 = arith.cmpi ne, %convert_element_type3A_376, %cond3A_377 : i32
      scf.if %cond3A_378 {
        %add3A_575 = arith.constant 2 : i32
        %add3A_576 = arith.addi %scan3A_368, %add3A_575 : i32
        %add3A_577 = arith.constant 2 : i32
        %add3A_578 = arith.addi %scan3A_368, %add3A_577 : i32
        %rem3A_579 = arith.constant 3 : i32
        %rem3A_580 = arith.remsi %add3A_578, %rem3A_579 : i32
        %mul3A_581 = arith.constant 128 : i32
        %mul3A_582 = arith.muli %rem3A_580, %mul3A_581 : i32
        %dma_start3A_583 = arith.constant 0 : i32
        %dma_start3A_584 = tpu.memref_slice %arg6[%mul3A_582, %dma_start3A_583] : memref<384x64xf32, #tpu.memory_space<vmem>> -> memref<128x64xf32, #tpu.memory_space<vmem>>
        %dma_start3A_585 = arith.constant 0 : i32
        %dma_start3A_586 = tpu.memref_slice %arg5[%add3A_576, %dma_start3A_585] : memref<200x128xi32, #tpu.memory_space<vmem>> -> memref<1x128xi32, #tpu.memory_space<vmem>>
        %dma_start3A_587 = tpu.memref_squeeze %dma_start3A_586 : memref<1x128xi32, #tpu.memory_space<vmem>> -> memref<128xi32, #tpu.memory_space<vmem>>
        %dma_start3A_588 = arith.constant 0 : i32
        %dma_start3A_589 = arith.constant 0 : i32
        %dma_start3A_590 = tpu.memref_slice %arg2[%dma_start3A_588, %dma_start3A_589] : memref<2000000x64xf32, #tpu.memory_space<hbm>> -> memref<2000000x64xf32, #tpu.memory_space<hbm>>
        tpu.enqueue_indirect_dma source(%dma_start3A_590 : memref<2000000x64xf32, #tpu.memory_space<hbm>>) target(%dma_start3A_584 : memref<128x64xf32, #tpu.memory_space<vmem>>) offsets(%dma_start3A_587 : memref<128xi32, #tpu.memory_space<vmem>>) semaphore(%arg8 : memref<!tpu.dma_semaphore, #tpu.memory_space<semaphore_mem>>)
      } else {
      }
      %mul3A_379 = arith.constant 128 : i32
      %mul3A_380 = arith.muli %rem3A_370, %mul3A_379 : i32
      %dma_wait3A_381 = arith.constant 0 : i32
      %dma_wait3A_382 = tpu.memref_slice %arg6[%mul3A_380, %dma_wait3A_381] : memref<384x64xf32, #tpu.memory_space<vmem>> -> memref<128x64xf32, #tpu.memory_space<vmem>>
      %dma_wait3A_383 = arith.constant 0 : i32
      %dma_wait3A_384 = tpu.memref_slice %arg5[%scan3A_368, %dma_wait3A_383] : memref<200x128xi32, #tpu.memory_space<vmem>> -> memref<1x128xi32, #tpu.memory_space<vmem>>
      %dma_wait3A_385 = tpu.memref_squeeze %dma_wait3A_384 : memref<1x128xi32, #tpu.memory_space<vmem>> -> memref<128xi32, #tpu.memory_space<vmem>>
      %dma_wait3A_386 = arith.constant 0 : i32
      %dma_wait3A_387 = arith.constant 0 : i32
      %dma_wait3A_388 = tpu.memref_slice %arg2[%dma_wait3A_386, %dma_wait3A_387] : memref<2000000x64xf32, #tpu.memory_space<hbm>> -> memref<2000000x64xf32, #tpu.memory_space<hbm>>
      tpu.wait_indirect_dma semaphore(%arg8 : memref<!tpu.dma_semaphore, #tpu.memory_space<semaphore_mem>>) src(%dma_wait3A_388 : memref<2000000x64xf32, #tpu.memory_space<hbm>>) dst(%dma_wait3A_382 : memref<128x64xf32, #tpu.memory_space<vmem>>)
      %mul3A_389 = arith.constant 64 : i32
      %mul3A_390 = arith.muli %rem3A_370, %mul3A_389 : i32
      %add3A_391 = arith.constant 0 : i32
      %add3A_392 = arith.addi %mul3A_390, %add3A_391 : i32
      %add3A_393 = vector.broadcast %add3A_392 : i32 to vector<16xi32>
      %add3A_394 = arith.addi %iota3A, %add3A_393 : vector<16xi32>
      %mul3A_395 = arith.constant 64 : i32
      %mul3A_396 = arith.muli %rem3A_370, %mul3A_395 : i32
      %add3A_397 = arith.constant 16 : i32
      %add3A_398 = arith.addi %mul3A_396, %add3A_397 : i32
      %add3A_399 = vector.broadcast %add3A_398 : i32 to vector<16xi32>
      %add3A_400 = arith.addi %iota3A, %add3A_399 : vector<16xi32>
      %mul3A_401 = arith.constant 64 : i32
      %mul3A_402 = arith.muli %rem3A_370, %mul3A_401 : i32
      %add3A_403 = arith.constant 32 : i32
      %add3A_404 = arith.addi %mul3A_402, %add3A_403 : i32
      %add3A_405 = vector.broadcast %add3A_404 : i32 to vector<16xi32>
      %add3A_406 = arith.addi %iota3A, %add3A_405 : vector<16xi32>
      %mul3A_407 = arith.constant 64 : i32
      %mul3A_408 = arith.muli %rem3A_370, %mul3A_407 : i32
      %add3A_409 = arith.constant 48 : i32
      %add3A_410 = arith.addi %mul3A_408, %add3A_409 : i32
      %add3A_411 = vector.broadcast %add3A_410 : i32 to vector<16xi32>
      %add3A_412 = arith.addi %iota3A, %add3A_411 : vector<16xi32>
      %parallel_loop3A = arith.constant 0 : i32
      %parallel_loop3A_413 = arith.constant 128 : i32
      %parallel_loop3A_414 = arith.constant 1 : i32
      scf.for %parallel_loop3A_575 = %parallel_loop3A to %parallel_loop3A_413 step %parallel_loop3A_414  : i32 {
        %parallel_loop3A_576 = vector.broadcast %parallel_loop3A_575 : i32 to vector<16xi32>
        %parallel_loop3A_577 = arith.addi %broadcast_in_dim3A_3, %parallel_loop3A_576 : vector<16xi32>
        %parallel_loop3A_578 = arith.constant 128 : i32
        %parallel_loop3A_579 = arith.muli %rem3A_370, %parallel_loop3A_578 : i32
        %parallel_loop3A_580 = arith.addi %parallel_loop3A_579, %parallel_loop3A_575 : i32
        %parallel_loop3A_581 = arith.index_cast %parallel_loop3A_580 : i32 to index
        %parallel_loop3A_582 = arith.constant 0 : index
        %parallel_loop3A_583 = tpu.vector_load %arg6[%parallel_loop3A_581, %parallel_loop3A_582] {strides = array<i32>} : memref<384x64xf32, #tpu.memory_space<vmem>>, vector<16xf32>,
        %parallel_loop3A_584 = arith.constant 8.000000e+00 : f32
        %parallel_loop3A_585 = vector.broadcast %parallel_loop3A_584 : f32 to vector<16xf32>
        %parallel_loop3A_586 = arith.mulf %parallel_loop3A_583, %parallel_loop3A_585 : vector<16xf32>
        tpu.vector_store_idx %arg7[%broadcast_in_dim3A_3, %add3A_394, %parallel_loop3A_577], %parallel_loop3A_586 : memref<1x192x133xf32, #tpu.memory_space<vmem>>[vector<16xi32>, vector<16xi32>, vector<16xi32>], vector<16xf32>,
        %parallel_loop3A_587 = arith.index_cast %parallel_loop3A_580 : i32 to index
        %parallel_loop3A_588 = arith.constant 16 : index
        %parallel_loop3A_589 = tpu.vector_load %arg6[%parallel_loop3A_587, %parallel_loop3A_588] {strides = array<i32>} : memref<384x64xf32, #tpu.memory_space<vmem>>, vector<16xf32>,
        %parallel_loop3A_590 = arith.constant 8.000000e+00 : f32
        %parallel_loop3A_591 = vector.broadcast %parallel_loop3A_590 : f32 to vector<16xf32>
        %parallel_loop3A_592 = arith.mulf %parallel_loop3A_589, %parallel_loop3A_591 : vector<16xf32>
        tpu.vector_store_idx %arg7[%broadcast_in_dim3A_3, %add3A_400, %parallel_loop3A_577], %parallel_loop3A_592 : memref<1x192x133xf32, #tpu.memory_space<vmem>>[vector<16xi32>, vector<16xi32>, vector<16xi32>], vector<16xf32>,
        %parallel_loop3A_593 = arith.index_cast %parallel_loop3A_580 : i32 to index
        %parallel_loop3A_594 = arith.constant 32 : index
        %parallel_loop3A_595 = tpu.vector_load %arg6[%parallel_loop3A_593, %parallel_loop3A_594] {strides = array<i32>} : memref<384x64xf32, #tpu.memory_space<vmem>>, vector<16xf32>,
        %parallel_loop3A_596 = arith.constant 8.000000e+00 : f32
        %parallel_loop3A_597 = vector.broadcast %parallel_loop3A_596 : f32 to vector<16xf32>
        %parallel_loop3A_598 = arith.mulf %parallel_loop3A_595, %parallel_loop3A_597 : vector<16xf32>
        tpu.vector_store_idx %arg7[%broadcast_in_dim3A_3, %add3A_406, %parallel_loop3A_577], %parallel_loop3A_598 : memref<1x192x133xf32, #tpu.memory_space<vmem>>[vector<16xi32>, vector<16xi32>, vector<16xi32>], vector<16xf32>,
        %parallel_loop3A_599 = arith.index_cast %parallel_loop3A_580 : i32 to index
        %parallel_loop3A_600 = arith.constant 48 : index
        %parallel_loop3A_601 = tpu.vector_load %arg6[%parallel_loop3A_599, %parallel_loop3A_600] {strides = array<i32>} : memref<384x64xf32, #tpu.memory_space<vmem>>, vector<16xf32>,
        %parallel_loop3A_602 = arith.constant 8.000000e+00 : f32
        %parallel_loop3A_603 = vector.broadcast %parallel_loop3A_602 : f32 to vector<16xf32>
        %parallel_loop3A_604 = arith.mulf %parallel_loop3A_601, %parallel_loop3A_603 : vector<16xf32>
        tpu.vector_store_idx %arg7[%broadcast_in_dim3A_3, %add3A_412, %parallel_loop3A_577], %parallel_loop3A_604 : memref<1x192x133xf32, #tpu.memory_space<vmem>>[vector<16xi32>, vector<16xi32>, vector<16xi32>], vector<16xf32>,
      } {sc.loop_unroll_factor = 4 : i64, sc.parallel_access}
      %mul3A_415 = arith.constant 64 : i32
      %mul3A_416 = arith.muli %rem3A_370, %mul3A_415 : i32
      %add3A_417 = arith.constant 0 : i32
      %add3A_418 = arith.addi %mul3A_416, %add3A_417 : i32
      %mul3A_419 = arith.constant 64 : i32
      %mul3A_420 = arith.muli %rem3A_370, %mul3A_419 : i32
      %add3A_421 = arith.constant 8 : i32
      %add3A_422 = arith.addi %mul3A_420, %add3A_421 : i32
      %mul3A_423 = arith.constant 64 : i32
      %mul3A_424 = arith.muli %rem3A_370, %mul3A_423 : i32
      %add3A_425 = arith.constant 16 : i32
      %add3A_426 = arith.addi %mul3A_424, %add3A_425 : i32
      %mul3A_427 = arith.constant 64 : i32
      %mul3A_428 = arith.muli %rem3A_370, %mul3A_427 : i32
      %add3A_429 = arith.constant 24 : i32
      %add3A_430 = arith.addi %mul3A_428, %add3A_429 : i32
      %mul3A_431 = arith.constant 64 : i32
      %mul3A_432 = arith.muli %rem3A_370, %mul3A_431 : i32
      %add3A_433 = arith.constant 32 : i32
      %add3A_434 = arith.addi %mul3A_432, %add3A_433 : i32
      %mul3A_435 = arith.constant 64 : i32
      %mul3A_436 = arith.muli %rem3A_370, %mul3A_435 : i32
      %add3A_437 = arith.constant 40 : i32
      %add3A_438 = arith.addi %mul3A_436, %add3A_437 : i32
      %mul3A_439 = arith.constant 64 : i32
      %mul3A_440 = arith.muli %rem3A_370, %mul3A_439 : i32
      %add3A_441 = arith.constant 48 : i32
      %add3A_442 = arith.addi %mul3A_440, %add3A_441 : i32
      %mul3A_443 = arith.constant 64 : i32
      %mul3A_444 = arith.muli %rem3A_370, %mul3A_443 : i32
      %add3A_445 = arith.constant 56 : i32
      %add3A_446 = arith.addi %mul3A_444, %add3A_445 : i32
      %dma_start3A_447 = arith.constant 0 : i32
      %dma_start3A_448 = arith.constant 0 : i32
      %dma_start3A_449 = arith.constant 0 : i32
      %dma_start3A_450 = tpu.memref_slice %arg7[%dma_start3A_447, %add3A_418, %dma_start3A_449] : memref<1x192x133xf32, #tpu.memory_space<vmem>> -> memref<1x8x128xf32, #tpu.memory_space<vmem>>
      %dma_start3A_451 = tpu.memref_squeeze %dma_start3A_450 : memref<1x8x128xf32, #tpu.memory_space<vmem>> -> memref<8x128xf32, #tpu.memory_space<vmem>>
      %dma_start3A_452 = arith.constant 0 : i32
      %dma_start3A_453 = arith.constant 0 : i32
      %dma_start3A_454 = tpu.memref_slice %arg4[%scan3A_368, %dma_start3A_448, %add3A, %dma_start3A_452, %dma_start3A_453] : memref<200x8x32x8x128xf32, #tpu.memory_space<hbm>> -> memref<1x1x1x8x128xf32, #tpu.memory_space<hbm>>
      %dma_start3A_455 = tpu.memref_squeeze %dma_start3A_454 : memref<1x1x1x8x128xf32, #tpu.memory_space<hbm>> -> memref<8x128xf32, #tpu.memory_space<hbm>>
      %dma_start3A_456 = arith.constant 0 : i32
      %dma_start3A_457 = arith.constant 0 : i32
      %dma_start3A_458 = tpu.memref_slice %arg4[%scan3A_368, %dma_start3A_448, %add3A, %dma_start3A_456, %dma_start3A_457] : memref<200x8x32x8x128xf32, #tpu.memory_space<hbm>> -> memref<1x1x1x8x128xf32, #tpu.memory_space<hbm>>
      %dma_start3A_459 = tpu.memref_squeeze %dma_start3A_458 : memref<1x1x1x8x128xf32, #tpu.memory_space<hbm>> -> memref<8x128xf32, #tpu.memory_space<hbm>>
      %dma_start3A_460 = arith.constant 0 : i32
      %dma_start3A_461 = tpu.memref_slice %arg7[%dma_start3A_447, %add3A_418, %dma_start3A_460] : memref<1x192x133xf32, #tpu.memory_space<vmem>> -> memref<1x8x128xf32, #tpu.memory_space<vmem>>
      %dma_start3A_462 = tpu.memref_squeeze %dma_start3A_461 : memref<1x8x128xf32, #tpu.memory_space<vmem>> -> memref<8x128xf32, #tpu.memory_space<vmem>>
      tpu.enqueue_dma source(%dma_start3A_462 : memref<8x128xf32, #tpu.memory_space<vmem>>) target(%dma_start3A_459 : memref<8x128xf32, #tpu.memory_space<hbm>>) target_semaphore(%arg9 : memref<!tpu.dma_semaphore, #tpu.memory_space<semaphore_mem>>)
      %dma_start3A_463 = arith.constant 0 : i32
      %dma_start3A_464 = arith.constant 1 : i32
      %dma_start3A_465 = arith.constant 0 : i32
      %dma_start3A_466 = tpu.memref_slice %arg7[%dma_start3A_463, %add3A_422, %dma_start3A_465] : memref<1x192x133xf32, #tpu.memory_space<vmem>> -> memref<1x8x128xf32, #tpu.memory_space<vmem>>
      %dma_start3A_467 = tpu.memref_squeeze %dma_start3A_466 : memref<1x8x128xf32, #tpu.memory_space<vmem>> -> memref<8x128xf32, #tpu.memory_space<vmem>>
      %dma_start3A_468 = arith.constant 0 : i32
      %dma_start3A_469 = arith.constant 0 : i32
      %dma_start3A_470 = tpu.memref_slice %arg4[%scan3A_368, %dma_start3A_464, %add3A, %dma_start3A_468, %dma_start3A_469] : memref<200x8x32x8x128xf32, #tpu.memory_space<hbm>> -> memref<1x1x1x8x128xf32, #tpu.memory_space<hbm>>
      %dma_start3A_471 = tpu.memref_squeeze %dma_start3A_470 : memref<1x1x1x8x128xf32, #tpu.memory_space<hbm>> -> memref<8x128xf32, #tpu.memory_space<hbm>>
      %dma_start3A_472 = arith.constant 0 : i32
      %dma_start3A_473 = arith.constant 0 : i32
      %dma_start3A_474 = tpu.memref_slice %arg4[%scan3A_368, %dma_start3A_464, %add3A, %dma_start3A_472, %dma_start3A_473] : memref<200x8x32x8x128xf32, #tpu.memory_space<hbm>> -> memref<1x1x1x8x128xf32, #tpu.memory_space<hbm>>
      %dma_start3A_475 = tpu.memref_squeeze %dma_start3A_474 : memref<1x1x1x8x128xf32, #tpu.memory_space<hbm>> -> memref<8x128xf32, #tpu.memory_space<hbm>>
      %dma_start3A_476 = arith.constant 0 : i32
      %dma_start3A_477 = tpu.memref_slice %arg7[%dma_start3A_463, %add3A_422, %dma_start3A_476] : memref<1x192x133xf32, #tpu.memory_space<vmem>> -> memref<1x8x128xf32, #tpu.memory_space<vmem>>
      %dma_start3A_478 = tpu.memref_squeeze %dma_start3A_477 : memref<1x8x128xf32, #tpu.memory_space<vmem>> -> memref<8x128xf32, #tpu.memory_space<vmem>>
      tpu.enqueue_dma source(%dma_start3A_478 : memref<8x128xf32, #tpu.memory_space<vmem>>) target(%dma_start3A_475 : memref<8x128xf32, #tpu.memory_space<hbm>>) target_semaphore(%arg9 : memref<!tpu.dma_semaphore, #tpu.memory_space<semaphore_mem>>)
      %dma_start3A_479 = arith.constant 0 : i32
      %dma_start3A_480 = arith.constant 2 : i32
      %dma_start3A_481 = arith.constant 0 : i32
      %dma_start3A_482 = tpu.memref_slice %arg7[%dma_start3A_479, %add3A_426, %dma_start3A_481] : memref<1x192x133xf32, #tpu.memory_space<vmem>> -> memref<1x8x128xf32, #tpu.memory_space<vmem>>
      %dma_start3A_483 = tpu.memref_squeeze %dma_start3A_482 : memref<1x8x128xf32, #tpu.memory_space<vmem>> -> memref<8x128xf32, #tpu.memory_space<vmem>>
      %dma_start3A_484 = arith.constant 0 : i32
      %dma_start3A_485 = arith.constant 0 : i32
      %dma_start3A_486 = tpu.memref_slice %arg4[%scan3A_368, %dma_start3A_480, %add3A, %dma_start3A_484, %dma_start3A_485] : memref<200x8x32x8x128xf32, #tpu.memory_space<hbm>> -> memref<1x1x1x8x128xf32, #tpu.memory_space<hbm>>
      %dma_start3A_487 = tpu.memref_squeeze %dma_start3A_486 : memref<1x1x1x8x128xf32, #tpu.memory_space<hbm>> -> memref<8x128xf32, #tpu.memory_space<hbm>>
      %dma_start3A_488 = arith.constant 0 : i32
      %dma_start3A_489 = arith.constant 0 : i32
      %dma_start3A_490 = tpu.memref_slice %arg4[%scan3A_368, %dma_start3A_480, %add3A, %dma_start3A_488, %dma_start3A_489] : memref<200x8x32x8x128xf32, #tpu.memory_space<hbm>> -> memref<1x1x1x8x128xf32, #tpu.memory_space<hbm>>
      %dma_start3A_491 = tpu.memref_squeeze %dma_start3A_490 : memref<1x1x1x8x128xf32, #tpu.memory_space<hbm>> -> memref<8x128xf32, #tpu.memory_space<hbm>>
      %dma_start3A_492 = arith.constant 0 : i32
      %dma_start3A_493 = tpu.memref_slice %arg7[%dma_start3A_479, %add3A_426, %dma_start3A_492] : memref<1x192x133xf32, #tpu.memory_space<vmem>> -> memref<1x8x128xf32, #tpu.memory_space<vmem>>
      %dma_start3A_494 = tpu.memref_squeeze %dma_start3A_493 : memref<1x8x128xf32, #tpu.memory_space<vmem>> -> memref<8x128xf32, #tpu.memory_space<vmem>>
      tpu.enqueue_dma source(%dma_start3A_494 : memref<8x128xf32, #tpu.memory_space<vmem>>) target(%dma_start3A_491 : memref<8x128xf32, #tpu.memory_space<hbm>>) target_semaphore(%arg9 : memref<!tpu.dma_semaphore, #tpu.memory_space<semaphore_mem>>)
      %dma_start3A_495 = arith.constant 0 : i32
      %dma_start3A_496 = arith.constant 3 : i32
      %dma_start3A_497 = arith.constant 0 : i32
      %dma_start3A_498 = tpu.memref_slice %arg7[%dma_start3A_495, %add3A_430, %dma_start3A_497] : memref<1x192x133xf32, #tpu.memory_space<vmem>> -> memref<1x8x128xf32, #tpu.memory_space<vmem>>
      %dma_start3A_499 = tpu.memref_squeeze %dma_start3A_498 : memref<1x8x128xf32, #tpu.memory_space<vmem>> -> memref<8x128xf32, #tpu.memory_space<vmem>>
      %dma_start3A_500 = arith.constant 0 : i32
      %dma_start3A_501 = arith.constant 0 : i32
      %dma_start3A_502 = tpu.memref_slice %arg4[%scan3A_368, %dma_start3A_496, %add3A, %dma_start3A_500, %dma_start3A_501] : memref<200x8x32x8x128xf32, #tpu.memory_space<hbm>> -> memref<1x1x1x8x128xf32, #tpu.memory_space<hbm>>
      %dma_start3A_503 = tpu.memref_squeeze %dma_start3A_502 : memref<1x1x1x8x128xf32, #tpu.memory_space<hbm>> -> memref<8x128xf32, #tpu.memory_space<hbm>>
      %dma_start3A_504 = arith.constant 0 : i32
      %dma_start3A_505 = arith.constant 0 : i32
      %dma_start3A_506 = tpu.memref_slice %arg4[%scan3A_368, %dma_start3A_496, %add3A, %dma_start3A_504, %dma_start3A_505] : memref<200x8x32x8x128xf32, #tpu.memory_space<hbm>> -> memref<1x1x1x8x128xf32, #tpu.memory_space<hbm>>
      %dma_start3A_507 = tpu.memref_squeeze %dma_start3A_506 : memref<1x1x1x8x128xf32, #tpu.memory_space<hbm>> -> memref<8x128xf32, #tpu.memory_space<hbm>>
      %dma_start3A_508 = arith.constant 0 : i32
      %dma_start3A_509 = tpu.memref_slice %arg7[%dma_start3A_495, %add3A_430, %dma_start3A_508] : memref<1x192x133xf32, #tpu.memory_space<vmem>> -> memref<1x8x128xf32, #tpu.memory_space<vmem>>
      %dma_start3A_510 = tpu.memref_squeeze %dma_start3A_509 : memref<1x8x128xf32, #tpu.memory_space<vmem>> -> memref<8x128xf32, #tpu.memory_space<vmem>>
      tpu.enqueue_dma source(%dma_start3A_510 : memref<8x128xf32, #tpu.memory_space<vmem>>) target(%dma_start3A_507 : memref<8x128xf32, #tpu.memory_space<hbm>>) target_semaphore(%arg9 : memref<!tpu.dma_semaphore, #tpu.memory_space<semaphore_mem>>)
      %dma_start3A_511 = arith.constant 0 : i32
      %dma_start3A_512 = arith.constant 4 : i32
      %dma_start3A_513 = arith.constant 0 : i32
      %dma_start3A_514 = tpu.memref_slice %arg7[%dma_start3A_511, %add3A_434, %dma_start3A_513] : memref<1x192x133xf32, #tpu.memory_space<vmem>> -> memref<1x8x128xf32, #tpu.memory_space<vmem>>
      %dma_start3A_515 = tpu.memref_squeeze %dma_start3A_514 : memref<1x8x128xf32, #tpu.memory_space<vmem>> -> memref<8x128xf32, #tpu.memory_space<vmem>>
      %dma_start3A_516 = arith.constant 0 : i32
      %dma_start3A_517 = arith.constant 0 : i32
      %dma_start3A_518 = tpu.memref_slice %arg4[%scan3A_368, %dma_start3A_512, %add3A, %dma_start3A_516, %dma_start3A_517] : memref<200x8x32x8x128xf32, #tpu.memory_space<hbm>> -> memref<1x1x1x8x128xf32, #tpu.memory_space<hbm>>
      %dma_start3A_519 = tpu.memref_squeeze %dma_start3A_518 : memref<1x1x1x8x128xf32, #tpu.memory_space<hbm>> -> memref<8x128xf32, #tpu.memory_space<hbm>>
      %dma_start3A_520 = arith.constant 0 : i32
      %dma_start3A_521 = arith.constant 0 : i32
      %dma_start3A_522 = tpu.memref_slice %arg4[%scan3A_368, %dma_start3A_512, %add3A, %dma_start3A_520, %dma_start3A_521] : memref<200x8x32x8x128xf32, #tpu.memory_space<hbm>> -> memref<1x1x1x8x128xf32, #tpu.memory_space<hbm>>
      %dma_start3A_523 = tpu.memref_squeeze %dma_start3A_522 : memref<1x1x1x8x128xf32, #tpu.memory_space<hbm>> -> memref<8x128xf32, #tpu.memory_space<hbm>>
      %dma_start3A_524 = arith.constant 0 : i32
      %dma_start3A_525 = tpu.memref_slice %arg7[%dma_start3A_511, %add3A_434, %dma_start3A_524] : memref<1x192x133xf32, #tpu.memory_space<vmem>> -> memref<1x8x128xf32, #tpu.memory_space<vmem>>
      %dma_start3A_526 = tpu.memref_squeeze %dma_start3A_525 : memref<1x8x128xf32, #tpu.memory_space<vmem>> -> memref<8x128xf32, #tpu.memory_space<vmem>>
      tpu.enqueue_dma source(%dma_start3A_526 : memref<8x128xf32, #tpu.memory_space<vmem>>) target(%dma_start3A_523 : memref<8x128xf32, #tpu.memory_space<hbm>>) target_semaphore(%arg9 : memref<!tpu.dma_semaphore, #tpu.memory_space<semaphore_mem>>)
      %dma_start3A_527 = arith.constant 0 : i32
      %dma_start3A_528 = arith.constant 5 : i32
      %dma_start3A_529 = arith.constant 0 : i32
      %dma_start3A_530 = tpu.memref_slice %arg7[%dma_start3A_527, %add3A_438, %dma_start3A_529] : memref<1x192x133xf32, #tpu.memory_space<vmem>> -> memref<1x8x128xf32, #tpu.memory_space<vmem>>
      %dma_start3A_531 = tpu.memref_squeeze %dma_start3A_530 : memref<1x8x128xf32, #tpu.memory_space<vmem>> -> memref<8x128xf32, #tpu.memory_space<vmem>>
      %dma_start3A_532 = arith.constant 0 : i32
      %dma_start3A_533 = arith.constant 0 : i32
      %dma_start3A_534 = tpu.memref_slice %arg4[%scan3A_368, %dma_start3A_528, %add3A, %dma_start3A_532, %dma_start3A_533] : memref<200x8x32x8x128xf32, #tpu.memory_space<hbm>> -> memref<1x1x1x8x128xf32, #tpu.memory_space<hbm>>
      %dma_start3A_535 = tpu.memref_squeeze %dma_start3A_534 : memref<1x1x1x8x128xf32, #tpu.memory_space<hbm>> -> memref<8x128xf32, #tpu.memory_space<hbm>>
      %dma_start3A_536 = arith.constant 0 : i32
      %dma_start3A_537 = arith.constant 0 : i32
      %dma_start3A_538 = tpu.memref_slice %arg4[%scan3A_368, %dma_start3A_528, %add3A, %dma_start3A_536, %dma_start3A_537] : memref<200x8x32x8x128xf32, #tpu.memory_space<hbm>> -> memref<1x1x1x8x128xf32, #tpu.memory_space<hbm>>
      %dma_start3A_539 = tpu.memref_squeeze %dma_start3A_538 : memref<1x1x1x8x128xf32, #tpu.memory_space<hbm>> -> memref<8x128xf32, #tpu.memory_space<hbm>>
      %dma_start3A_540 = arith.constant 0 : i32
      %dma_start3A_541 = tpu.memref_slice %arg7[%dma_start3A_527, %add3A_438, %dma_start3A_540] : memref<1x192x133xf32, #tpu.memory_space<vmem>> -> memref<1x8x128xf32, #tpu.memory_space<vmem>>
      %dma_start3A_542 = tpu.memref_squeeze %dma_start3A_541 : memref<1x8x128xf32, #tpu.memory_space<vmem>> -> memref<8x128xf32, #tpu.memory_space<vmem>>
      tpu.enqueue_dma source(%dma_start3A_542 : memref<8x128xf32, #tpu.memory_space<vmem>>) target(%dma_start3A_539 : memref<8x128xf32, #tpu.memory_space<hbm>>) target_semaphore(%arg9 : memref<!tpu.dma_semaphore, #tpu.memory_space<semaphore_mem>>)
      %dma_start3A_543 = arith.constant 0 : i32
      %dma_start3A_544 = arith.constant 6 : i32
      %dma_start3A_545 = arith.constant 0 : i32
      %dma_start3A_546 = tpu.memref_slice %arg7[%dma_start3A_543, %add3A_442, %dma_start3A_545] : memref<1x192x133xf32, #tpu.memory_space<vmem>> -> memref<1x8x128xf32, #tpu.memory_space<vmem>>
      %dma_start3A_547 = tpu.memref_squeeze %dma_start3A_546 : memref<1x8x128xf32, #tpu.memory_space<vmem>> -> memref<8x128xf32, #tpu.memory_space<vmem>>
      %dma_start3A_548 = arith.constant 0 : i32
      %dma_start3A_549 = arith.constant 0 : i32
      %dma_start3A_550 = tpu.memref_slice %arg4[%scan3A_368, %dma_start3A_544, %add3A, %dma_start3A_548, %dma_start3A_549] : memref<200x8x32x8x128xf32, #tpu.memory_space<hbm>> -> memref<1x1x1x8x128xf32, #tpu.memory_space<hbm>>
      %dma_start3A_551 = tpu.memref_squeeze %dma_start3A_550 : memref<1x1x1x8x128xf32, #tpu.memory_space<hbm>> -> memref<8x128xf32, #tpu.memory_space<hbm>>
      %dma_start3A_552 = arith.constant 0 : i32
      %dma_start3A_553 = arith.constant 0 : i32
      %dma_start3A_554 = tpu.memref_slice %arg4[%scan3A_368, %dma_start3A_544, %add3A, %dma_start3A_552, %dma_start3A_553] : memref<200x8x32x8x128xf32, #tpu.memory_space<hbm>> -> memref<1x1x1x8x128xf32, #tpu.memory_space<hbm>>
      %dma_start3A_555 = tpu.memref_squeeze %dma_start3A_554 : memref<1x1x1x8x128xf32, #tpu.memory_space<hbm>> -> memref<8x128xf32, #tpu.memory_space<hbm>>
      %dma_start3A_556 = arith.constant 0 : i32
      %dma_start3A_557 = tpu.memref_slice %arg7[%dma_start3A_543, %add3A_442, %dma_start3A_556] : memref<1x192x133xf32, #tpu.memory_space<vmem>> -> memref<1x8x128xf32, #tpu.memory_space<vmem>>
      %dma_start3A_558 = tpu.memref_squeeze %dma_start3A_557 : memref<1x8x128xf32, #tpu.memory_space<vmem>> -> memref<8x128xf32, #tpu.memory_space<vmem>>
      tpu.enqueue_dma source(%dma_start3A_558 : memref<8x128xf32, #tpu.memory_space<vmem>>) target(%dma_start3A_555 : memref<8x128xf32, #tpu.memory_space<hbm>>) target_semaphore(%arg9 : memref<!tpu.dma_semaphore, #tpu.memory_space<semaphore_mem>>)
      %dma_start3A_559 = arith.constant 0 : i32
      %dma_start3A_560 = arith.constant 7 : i32
      %dma_start3A_561 = arith.constant 0 : i32
      %dma_start3A_562 = tpu.memref_slice %arg7[%dma_start3A_559, %add3A_446, %dma_start3A_561] : memref<1x192x133xf32, #tpu.memory_space<vmem>> -> memref<1x8x128xf32, #tpu.memory_space<vmem>>
      %dma_start3A_563 = tpu.memref_squeeze %dma_start3A_562 : memref<1x8x128xf32, #tpu.memory_space<vmem>> -> memref<8x128xf32, #tpu.memory_space<vmem>>
      %dma_start3A_564 = arith.constant 0 : i32
      %dma_start3A_565 = arith.constant 0 : i32
      %dma_start3A_566 = tpu.memref_slice %arg4[%scan3A_368, %dma_start3A_560, %add3A, %dma_start3A_564, %dma_start3A_565] : memref<200x8x32x8x128xf32, #tpu.memory_space<hbm>> -> memref<1x1x1x8x128xf32, #tpu.memory_space<hbm>>
      %dma_start3A_567 = tpu.memref_squeeze %dma_start3A_566 : memref<1x1x1x8x128xf32, #tpu.memory_space<hbm>> -> memref<8x128xf32, #tpu.memory_space<hbm>>
      %dma_start3A_568 = arith.constant 0 : i32
      %dma_start3A_569 = arith.constant 0 : i32
      %dma_start3A_570 = tpu.memref_slice %arg4[%scan3A_368, %dma_start3A_560, %add3A, %dma_start3A_568, %dma_start3A_569] : memref<200x8x32x8x128xf32, #tpu.memory_space<hbm>> -> memref<1x1x1x8x128xf32, #tpu.memory_space<hbm>>
      %dma_start3A_571 = tpu.memref_squeeze %dma_start3A_570 : memref<1x1x1x8x128xf32, #tpu.memory_space<hbm>> -> memref<8x128xf32, #tpu.memory_space<hbm>>
      %dma_start3A_572 = arith.constant 0 : i32
      %dma_start3A_573 = tpu.memref_slice %arg7[%dma_start3A_559, %add3A_446, %dma_start3A_572] : memref<1x192x133xf32, #tpu.memory_space<vmem>> -> memref<1x8x128xf32, #tpu.memory_space<vmem>>
      %dma_start3A_574 = tpu.memref_squeeze %dma_start3A_573 : memref<1x8x128xf32, #tpu.memory_space<vmem>> -> memref<8x128xf32, #tpu.memory_space<vmem>>
      tpu.enqueue_dma source(%dma_start3A_574 : memref<8x128xf32, #tpu.memory_space<vmem>>) target(%dma_start3A_571 : memref<8x128xf32, #tpu.memory_space<hbm>>) target_semaphore(%arg9 : memref<!tpu.dma_semaphore, #tpu.memory_space<semaphore_mem>>)
    }
    %scan3A_27 = arith.constant 200 : i32
    %rem3A = arith.constant 198 : i32
    %rem3A_28 = arith.constant 3 : i32
    %rem3A_29 = arith.remsi %rem3A, %rem3A_28 : i32
    %mul3A_30 = arith.constant 64 : i32
    %mul3A_31 = arith.muli %rem3A_29, %mul3A_30 : i32
    %add3A_32 = arith.constant 0 : i32
    %add3A_33 = arith.addi %mul3A_31, %add3A_32 : i32
    %mul3A_34 = arith.constant 64 : i32
    %mul3A_35 = arith.muli %rem3A_29, %mul3A_34 : i32
    %add3A_36 = arith.constant 8 : i32
    %add3A_37 = arith.addi %mul3A_35, %add3A_36 : i32
    %mul3A_38 = arith.constant 64 : i32
    %mul3A_39 = arith.muli %rem3A_29, %mul3A_38 : i32
    %add3A_40 = arith.constant 16 : i32
    %add3A_41 = arith.addi %mul3A_39, %add3A_40 : i32
    %mul3A_42 = arith.constant 64 : i32
    %mul3A_43 = arith.muli %rem3A_29, %mul3A_42 : i32
    %add3A_44 = arith.constant 24 : i32
    %add3A_45 = arith.addi %mul3A_43, %add3A_44 : i32
    %mul3A_46 = arith.constant 64 : i32
    %mul3A_47 = arith.muli %rem3A_29, %mul3A_46 : i32
    %add3A_48 = arith.constant 32 : i32
    %add3A_49 = arith.addi %mul3A_47, %add3A_48 : i32
    %mul3A_50 = arith.constant 64 : i32
    %mul3A_51 = arith.muli %rem3A_29, %mul3A_50 : i32
    %add3A_52 = arith.constant 40 : i32
    %add3A_53 = arith.addi %mul3A_51, %add3A_52 : i32
    %mul3A_54 = arith.constant 64 : i32
    %mul3A_55 = arith.muli %rem3A_29, %mul3A_54 : i32
    %add3A_56 = arith.constant 48 : i32
    %add3A_57 = arith.addi %mul3A_55, %add3A_56 : i32
    %mul3A_58 = arith.constant 64 : i32
    %mul3A_59 = arith.muli %rem3A_29, %mul3A_58 : i32
    %add3A_60 = arith.constant 56 : i32
    %add3A_61 = arith.addi %mul3A_59, %add3A_60 : i32
    %dma_wait3A = arith.constant 0 : i32
    %dma_wait3A_62 = arith.constant 198 : i32
    %dma_wait3A_63 = arith.constant 0 : i32
    %dma_wait3A_64 = arith.constant 0 : i32
    %dma_wait3A_65 = tpu.memref_slice %arg7[%dma_wait3A, %add3A_33, %dma_wait3A_64] : memref<1x192x133xf32, #tpu.memory_space<vmem>> -> memref<1x8x128xf32, #tpu.memory_space<vmem>>
    %dma_wait3A_66 = tpu.memref_squeeze %dma_wait3A_65 : memref<1x8x128xf32, #tpu.memory_space<vmem>> -> memref<8x128xf32, #tpu.memory_space<vmem>>
    %dma_wait3A_67 = arith.constant 0 : i32
    %dma_wait3A_68 = arith.constant 0 : i32
    %dma_wait3A_69 = tpu.memref_slice %arg4[%dma_wait3A_62, %dma_wait3A_63, %add3A, %dma_wait3A_67, %dma_wait3A_68] : memref<200x8x32x8x128xf32, #tpu.memory_space<hbm>> -> memref<1x1x1x8x128xf32, #tpu.memory_space<hbm>>
    %dma_wait3A_70 = tpu.memref_squeeze %dma_wait3A_69 : memref<1x1x1x8x128xf32, #tpu.memory_space<hbm>> -> memref<8x128xf32, #tpu.memory_space<hbm>>
    %dma_wait3A_71 = arith.constant 0 : i32
    %dma_wait3A_72 = arith.constant 0 : i32
    %dma_wait3A_73 = tpu.memref_slice %arg4[%dma_wait3A_62, %dma_wait3A_63, %add3A, %dma_wait3A_71, %dma_wait3A_72] : memref<200x8x32x8x128xf32, #tpu.memory_space<hbm>> -> memref<1x1x1x8x128xf32, #tpu.memory_space<hbm>>
    %dma_wait3A_74 = tpu.memref_squeeze %dma_wait3A_73 : memref<1x1x1x8x128xf32, #tpu.memory_space<hbm>> -> memref<8x128xf32, #tpu.memory_space<hbm>>
    %dma_wait3A_75 = arith.constant 0 : i32
    %dma_wait3A_76 = tpu.memref_slice %arg7[%dma_wait3A, %add3A_33, %dma_wait3A_75] : memref<1x192x133xf32, #tpu.memory_space<vmem>> -> memref<1x8x128xf32, #tpu.memory_space<vmem>>
    %dma_wait3A_77 = tpu.memref_squeeze %dma_wait3A_76 : memref<1x8x128xf32, #tpu.memory_space<vmem>> -> memref<8x128xf32, #tpu.memory_space<vmem>>
    tpu.wait_dma2 semaphore(%arg9 : memref<!tpu.dma_semaphore, #tpu.memory_space<semaphore_mem>>) src(%dma_wait3A_77 : memref<8x128xf32, #tpu.memory_space<vmem>>) dst(%dma_wait3A_74 : memref<8x128xf32, #tpu.memory_space<hbm>>)
    %dma_wait3A_78 = arith.constant 0 : i32
    %dma_wait3A_79 = arith.constant 198 : i32
    %dma_wait3A_80 = arith.constant 1 : i32
    %dma_wait3A_81 = arith.constant 0 : i32
    %dma_wait3A_82 = tpu.memref_slice %arg7[%dma_wait3A_78, %add3A_37, %dma_wait3A_81] : memref<1x192x133xf32, #tpu.memory_space<vmem>> -> memref<1x8x128xf32, #tpu.memory_space<vmem>>
    %dma_wait3A_83 = tpu.memref_squeeze %dma_wait3A_82 : memref<1x8x128xf32, #tpu.memory_space<vmem>> -> memref<8x128xf32, #tpu.memory_space<vmem>>
    %dma_wait3A_84 = arith.constant 0 : i32
    %dma_wait3A_85 = arith.constant 0 : i32
    %dma_wait3A_86 = tpu.memref_slice %arg4[%dma_wait3A_79, %dma_wait3A_80, %add3A, %dma_wait3A_84, %dma_wait3A_85] : memref<200x8x32x8x128xf32, #tpu.memory_space<hbm>> -> memref<1x1x1x8x128xf32, #tpu.memory_space<hbm>>
    %dma_wait3A_87 = tpu.memref_squeeze %dma_wait3A_86 : memref<1x1x1x8x128xf32, #tpu.memory_space<hbm>> -> memref<8x128xf32, #tpu.memory_space<hbm>>
    %dma_wait3A_88 = arith.constant 0 : i32
    %dma_wait3A_89 = arith.constant 0 : i32
    %dma_wait3A_90 = tpu.memref_slice %arg4[%dma_wait3A_79, %dma_wait3A_80, %add3A, %dma_wait3A_88, %dma_wait3A_89] : memref<200x8x32x8x128xf32, #tpu.memory_space<hbm>> -> memref<1x1x1x8x128xf32, #tpu.memory_space<hbm>>
    %dma_wait3A_91 = tpu.memref_squeeze %dma_wait3A_90 : memref<1x1x1x8x128xf32, #tpu.memory_space<hbm>> -> memref<8x128xf32, #tpu.memory_space<hbm>>
    %dma_wait3A_92 = arith.constant 0 : i32
    %dma_wait3A_93 = tpu.memref_slice %arg7[%dma_wait3A_78, %add3A_37, %dma_wait3A_92] : memref<1x192x133xf32, #tpu.memory_space<vmem>> -> memref<1x8x128xf32, #tpu.memory_space<vmem>>
    %dma_wait3A_94 = tpu.memref_squeeze %dma_wait3A_93 : memref<1x8x128xf32, #tpu.memory_space<vmem>> -> memref<8x128xf32, #tpu.memory_space<vmem>>
    tpu.wait_dma2 semaphore(%arg9 : memref<!tpu.dma_semaphore, #tpu.memory_space<semaphore_mem>>) src(%dma_wait3A_94 : memref<8x128xf32, #tpu.memory_space<vmem>>) dst(%dma_wait3A_91 : memref<8x128xf32, #tpu.memory_space<hbm>>)
    %dma_wait3A_95 = arith.constant 0 : i32
    %dma_wait3A_96 = arith.constant 198 : i32
    %dma_wait3A_97 = arith.constant 2 : i32
    %dma_wait3A_98 = arith.constant 0 : i32
    %dma_wait3A_99 = tpu.memref_slice %arg7[%dma_wait3A_95, %add3A_41, %dma_wait3A_98] : memref<1x192x133xf32, #tpu.memory_space<vmem>> -> memref<1x8x128xf32, #tpu.memory_space<vmem>>
    %dma_wait3A_100 = tpu.memref_squeeze %dma_wait3A_99 : memref<1x8x128xf32, #tpu.memory_space<vmem>> -> memref<8x128xf32, #tpu.memory_space<vmem>>
    %dma_wait3A_101 = arith.constant 0 : i32
    %dma_wait3A_102 = arith.constant 0 : i32
    %dma_wait3A_103 = tpu.memref_slice %arg4[%dma_wait3A_96, %dma_wait3A_97, %add3A, %dma_wait3A_101, %dma_wait3A_102] : memref<200x8x32x8x128xf32, #tpu.memory_space<hbm>> -> memref<1x1x1x8x128xf32, #tpu.memory_space<hbm>>
    %dma_wait3A_104 = tpu.memref_squeeze %dma_wait3A_103 : memref<1x1x1x8x128xf32, #tpu.memory_space<hbm>> -> memref<8x128xf32, #tpu.memory_space<hbm>>
    %dma_wait3A_105 = arith.constant 0 : i32
    %dma_wait3A_106 = arith.constant 0 : i32
    %dma_wait3A_107 = tpu.memref_slice %arg4[%dma_wait3A_96, %dma_wait3A_97, %add3A, %dma_wait3A_105, %dma_wait3A_106] : memref<200x8x32x8x128xf32, #tpu.memory_space<hbm>> -> memref<1x1x1x8x128xf32, #tpu.memory_space<hbm>>
    %dma_wait3A_108 = tpu.memref_squeeze %dma_wait3A_107 : memref<1x1x1x8x128xf32, #tpu.memory_space<hbm>> -> memref<8x128xf32, #tpu.memory_space<hbm>>
    %dma_wait3A_109 = arith.constant 0 : i32
    %dma_wait3A_110 = tpu.memref_slice %arg7[%dma_wait3A_95, %add3A_41, %dma_wait3A_109] : memref<1x192x133xf32, #tpu.memory_space<vmem>> -> memref<1x8x128xf32, #tpu.memory_space<vmem>>
    %dma_wait3A_111 = tpu.memref_squeeze %dma_wait3A_110 : memref<1x8x128xf32, #tpu.memory_space<vmem>> -> memref<8x128xf32, #tpu.memory_space<vmem>>
    tpu.wait_dma2 semaphore(%arg9 : memref<!tpu.dma_semaphore, #tpu.memory_space<semaphore_mem>>) src(%dma_wait3A_111 : memref<8x128xf32, #tpu.memory_space<vmem>>) dst(%dma_wait3A_108 : memref<8x128xf32, #tpu.memory_space<hbm>>)
    %dma_wait3A_112 = arith.constant 0 : i32
    %dma_wait3A_113 = arith.constant 198 : i32
    %dma_wait3A_114 = arith.constant 3 : i32
    %dma_wait3A_115 = arith.constant 0 : i32
    %dma_wait3A_116 = tpu.memref_slice %arg7[%dma_wait3A_112, %add3A_45, %dma_wait3A_115] : memref<1x192x133xf32, #tpu.memory_space<vmem>> -> memref<1x8x128xf32, #tpu.memory_space<vmem>>
    %dma_wait3A_117 = tpu.memref_squeeze %dma_wait3A_116 : memref<1x8x128xf32, #tpu.memory_space<vmem>> -> memref<8x128xf32, #tpu.memory_space<vmem>>
    %dma_wait3A_118 = arith.constant 0 : i32
    %dma_wait3A_119 = arith.constant 0 : i32
    %dma_wait3A_120 = tpu.memref_slice %arg4[%dma_wait3A_113, %dma_wait3A_114, %add3A, %dma_wait3A_118, %dma_wait3A_119] : memref<200x8x32x8x128xf32, #tpu.memory_space<hbm>> -> memref<1x1x1x8x128xf32, #tpu.memory_space<hbm>>
    %dma_wait3A_121 = tpu.memref_squeeze %dma_wait3A_120 : memref<1x1x1x8x128xf32, #tpu.memory_space<hbm>> -> memref<8x128xf32, #tpu.memory_space<hbm>>
    %dma_wait3A_122 = arith.constant 0 : i32
    %dma_wait3A_123 = arith.constant 0 : i32
    %dma_wait3A_124 = tpu.memref_slice %arg4[%dma_wait3A_113, %dma_wait3A_114, %add3A, %dma_wait3A_122, %dma_wait3A_123] : memref<200x8x32x8x128xf32, #tpu.memory_space<hbm>> -> memref<1x1x1x8x128xf32, #tpu.memory_space<hbm>>
    %dma_wait3A_125 = tpu.memref_squeeze %dma_wait3A_124 : memref<1x1x1x8x128xf32, #tpu.memory_space<hbm>> -> memref<8x128xf32, #tpu.memory_space<hbm>>
    %dma_wait3A_126 = arith.constant 0 : i32
    %dma_wait3A_127 = tpu.memref_slice %arg7[%dma_wait3A_112, %add3A_45, %dma_wait3A_126] : memref<1x192x133xf32, #tpu.memory_space<vmem>> -> memref<1x8x128xf32, #tpu.memory_space<vmem>>
    %dma_wait3A_128 = tpu.memref_squeeze %dma_wait3A_127 : memref<1x8x128xf32, #tpu.memory_space<vmem>> -> memref<8x128xf32, #tpu.memory_space<vmem>>
    tpu.wait_dma2 semaphore(%arg9 : memref<!tpu.dma_semaphore, #tpu.memory_space<semaphore_mem>>) src(%dma_wait3A_128 : memref<8x128xf32, #tpu.memory_space<vmem>>) dst(%dma_wait3A_125 : memref<8x128xf32, #tpu.memory_space<hbm>>)
    %dma_wait3A_129 = arith.constant 0 : i32
    %dma_wait3A_130 = arith.constant 198 : i32
    %dma_wait3A_131 = arith.constant 4 : i32
    %dma_wait3A_132 = arith.constant 0 : i32
    %dma_wait3A_133 = tpu.memref_slice %arg7[%dma_wait3A_129, %add3A_49, %dma_wait3A_132] : memref<1x192x133xf32, #tpu.memory_space<vmem>> -> memref<1x8x128xf32, #tpu.memory_space<vmem>>
    %dma_wait3A_134 = tpu.memref_squeeze %dma_wait3A_133 : memref<1x8x128xf32, #tpu.memory_space<vmem>> -> memref<8x128xf32, #tpu.memory_space<vmem>>
    %dma_wait3A_135 = arith.constant 0 : i32
    %dma_wait3A_136 = arith.constant 0 : i32
    %dma_wait3A_137 = tpu.memref_slice %arg4[%dma_wait3A_130, %dma_wait3A_131, %add3A, %dma_wait3A_135, %dma_wait3A_136] : memref<200x8x32x8x128xf32, #tpu.memory_space<hbm>> -> memref<1x1x1x8x128xf32, #tpu.memory_space<hbm>>
    %dma_wait3A_138 = tpu.memref_squeeze %dma_wait3A_137 : memref<1x1x1x8x128xf32, #tpu.memory_space<hbm>> -> memref<8x128xf32, #tpu.memory_space<hbm>>
    %dma_wait3A_139 = arith.constant 0 : i32
    %dma_wait3A_140 = arith.constant 0 : i32
    %dma_wait3A_141 = tpu.memref_slice %arg4[%dma_wait3A_130, %dma_wait3A_131, %add3A, %dma_wait3A_139, %dma_wait3A_140] : memref<200x8x32x8x128xf32, #tpu.memory_space<hbm>> -> memref<1x1x1x8x128xf32, #tpu.memory_space<hbm>>
    %dma_wait3A_142 = tpu.memref_squeeze %dma_wait3A_141 : memref<1x1x1x8x128xf32, #tpu.memory_space<hbm>> -> memref<8x128xf32, #tpu.memory_space<hbm>>
    %dma_wait3A_143 = arith.constant 0 : i32
    %dma_wait3A_144 = tpu.memref_slice %arg7[%dma_wait3A_129, %add3A_49, %dma_wait3A_143] : memref<1x192x133xf32, #tpu.memory_space<vmem>> -> memref<1x8x128xf32, #tpu.memory_space<vmem>>
    %dma_wait3A_145 = tpu.memref_squeeze %dma_wait3A_144 : memref<1x8x128xf32, #tpu.memory_space<vmem>> -> memref<8x128xf32, #tpu.memory_space<vmem>>
    tpu.wait_dma2 semaphore(%arg9 : memref<!tpu.dma_semaphore, #tpu.memory_space<semaphore_mem>>) src(%dma_wait3A_145 : memref<8x128xf32, #tpu.memory_space<vmem>>) dst(%dma_wait3A_142 : memref<8x128xf32, #tpu.memory_space<hbm>>)
    %dma_wait3A_146 = arith.constant 0 : i32
    %dma_wait3A_147 = arith.constant 198 : i32
    %dma_wait3A_148 = arith.constant 5 : i32
    %dma_wait3A_149 = arith.constant 0 : i32
    %dma_wait3A_150 = tpu.memref_slice %arg7[%dma_wait3A_146, %add3A_53, %dma_wait3A_149] : memref<1x192x133xf32, #tpu.memory_space<vmem>> -> memref<1x8x128xf32, #tpu.memory_space<vmem>>
    %dma_wait3A_151 = tpu.memref_squeeze %dma_wait3A_150 : memref<1x8x128xf32, #tpu.memory_space<vmem>> -> memref<8x128xf32, #tpu.memory_space<vmem>>
    %dma_wait3A_152 = arith.constant 0 : i32
    %dma_wait3A_153 = arith.constant 0 : i32
    %dma_wait3A_154 = tpu.memref_slice %arg4[%dma_wait3A_147, %dma_wait3A_148, %add3A, %dma_wait3A_152, %dma_wait3A_153] : memref<200x8x32x8x128xf32, #tpu.memory_space<hbm>> -> memref<1x1x1x8x128xf32, #tpu.memory_space<hbm>>
    %dma_wait3A_155 = tpu.memref_squeeze %dma_wait3A_154 : memref<1x1x1x8x128xf32, #tpu.memory_space<hbm>> -> memref<8x128xf32, #tpu.memory_space<hbm>>
    %dma_wait3A_156 = arith.constant 0 : i32
    %dma_wait3A_157 = arith.constant 0 : i32
    %dma_wait3A_158 = tpu.memref_slice %arg4[%dma_wait3A_147, %dma_wait3A_148, %add3A, %dma_wait3A_156, %dma_wait3A_157] : memref<200x8x32x8x128xf32, #tpu.memory_space<hbm>> -> memref<1x1x1x8x128xf32, #tpu.memory_space<hbm>>
    %dma_wait3A_159 = tpu.memref_squeeze %dma_wait3A_158 : memref<1x1x1x8x128xf32, #tpu.memory_space<hbm>> -> memref<8x128xf32, #tpu.memory_space<hbm>>
    %dma_wait3A_160 = arith.constant 0 : i32
    %dma_wait3A_161 = tpu.memref_slice %arg7[%dma_wait3A_146, %add3A_53, %dma_wait3A_160] : memref<1x192x133xf32, #tpu.memory_space<vmem>> -> memref<1x8x128xf32, #tpu.memory_space<vmem>>
    %dma_wait3A_162 = tpu.memref_squeeze %dma_wait3A_161 : memref<1x8x128xf32, #tpu.memory_space<vmem>> -> memref<8x128xf32, #tpu.memory_space<vmem>>
    tpu.wait_dma2 semaphore(%arg9 : memref<!tpu.dma_semaphore, #tpu.memory_space<semaphore_mem>>) src(%dma_wait3A_162 : memref<8x128xf32, #tpu.memory_space<vmem>>) dst(%dma_wait3A_159 : memref<8x128xf32, #tpu.memory_space<hbm>>)
    %dma_wait3A_163 = arith.constant 0 : i32
    %dma_wait3A_164 = arith.constant 198 : i32
    %dma_wait3A_165 = arith.constant 6 : i32
    %dma_wait3A_166 = arith.constant 0 : i32
    %dma_wait3A_167 = tpu.memref_slice %arg7[%dma_wait3A_163, %add3A_57, %dma_wait3A_166] : memref<1x192x133xf32, #tpu.memory_space<vmem>> -> memref<1x8x128xf32, #tpu.memory_space<vmem>>
    %dma_wait3A_168 = tpu.memref_squeeze %dma_wait3A_167 : memref<1x8x128xf32, #tpu.memory_space<vmem>> -> memref<8x128xf32, #tpu.memory_space<vmem>>
    %dma_wait3A_169 = arith.constant 0 : i32
    %dma_wait3A_170 = arith.constant 0 : i32
    %dma_wait3A_171 = tpu.memref_slice %arg4[%dma_wait3A_164, %dma_wait3A_165, %add3A, %dma_wait3A_169, %dma_wait3A_170] : memref<200x8x32x8x128xf32, #tpu.memory_space<hbm>> -> memref<1x1x1x8x128xf32, #tpu.memory_space<hbm>>
    %dma_wait3A_172 = tpu.memref_squeeze %dma_wait3A_171 : memref<1x1x1x8x128xf32, #tpu.memory_space<hbm>> -> memref<8x128xf32, #tpu.memory_space<hbm>>
    %dma_wait3A_173 = arith.constant 0 : i32
    %dma_wait3A_174 = arith.constant 0 : i32
    %dma_wait3A_175 = tpu.memref_slice %arg4[%dma_wait3A_164, %dma_wait3A_165, %add3A, %dma_wait3A_173, %dma_wait3A_174] : memref<200x8x32x8x128xf32, #tpu.memory_space<hbm>> -> memref<1x1x1x8x128xf32, #tpu.memory_space<hbm>>
    %dma_wait3A_176 = tpu.memref_squeeze %dma_wait3A_175 : memref<1x1x1x8x128xf32, #tpu.memory_space<hbm>> -> memref<8x128xf32, #tpu.memory_space<hbm>>
    %dma_wait3A_177 = arith.constant 0 : i32
    %dma_wait3A_178 = tpu.memref_slice %arg7[%dma_wait3A_163, %add3A_57, %dma_wait3A_177] : memref<1x192x133xf32, #tpu.memory_space<vmem>> -> memref<1x8x128xf32, #tpu.memory_space<vmem>>
    %dma_wait3A_179 = tpu.memref_squeeze %dma_wait3A_178 : memref<1x8x128xf32, #tpu.memory_space<vmem>> -> memref<8x128xf32, #tpu.memory_space<vmem>>
    tpu.wait_dma2 semaphore(%arg9 : memref<!tpu.dma_semaphore, #tpu.memory_space<semaphore_mem>>) src(%dma_wait3A_179 : memref<8x128xf32, #tpu.memory_space<vmem>>) dst(%dma_wait3A_176 : memref<8x128xf32, #tpu.memory_space<hbm>>)
    %dma_wait3A_180 = arith.constant 0 : i32
    %dma_wait3A_181 = arith.constant 198 : i32
    %dma_wait3A_182 = arith.constant 7 : i32
    %dma_wait3A_183 = arith.constant 0 : i32
    %dma_wait3A_184 = tpu.memref_slice %arg7[%dma_wait3A_180, %add3A_61, %dma_wait3A_183] : memref<1x192x133xf32, #tpu.memory_space<vmem>> -> memref<1x8x128xf32, #tpu.memory_space<vmem>>
    %dma_wait3A_185 = tpu.memref_squeeze %dma_wait3A_184 : memref<1x8x128xf32, #tpu.memory_space<vmem>> -> memref<8x128xf32, #tpu.memory_space<vmem>>
    %dma_wait3A_186 = arith.constant 0 : i32
    %dma_wait3A_187 = arith.constant 0 : i32
    %dma_wait3A_188 = tpu.memref_slice %arg4[%dma_wait3A_181, %dma_wait3A_182, %add3A, %dma_wait3A_186, %dma_wait3A_187] : memref<200x8x32x8x128xf32, #tpu.memory_space<hbm>> -> memref<1x1x1x8x128xf32, #tpu.memory_space<hbm>>
    %dma_wait3A_189 = tpu.memref_squeeze %dma_wait3A_188 : memref<1x1x1x8x128xf32, #tpu.memory_space<hbm>> -> memref<8x128xf32, #tpu.memory_space<hbm>>
    %dma_wait3A_190 = arith.constant 0 : i32
    %dma_wait3A_191 = arith.constant 0 : i32
    %dma_wait3A_192 = tpu.memref_slice %arg4[%dma_wait3A_181, %dma_wait3A_182, %add3A, %dma_wait3A_190, %dma_wait3A_191] : memref<200x8x32x8x128xf32, #tpu.memory_space<hbm>> -> memref<1x1x1x8x128xf32, #tpu.memory_space<hbm>>
    %dma_wait3A_193 = tpu.memref_squeeze %dma_wait3A_192 : memref<1x1x1x8x128xf32, #tpu.memory_space<hbm>> -> memref<8x128xf32, #tpu.memory_space<hbm>>
    %dma_wait3A_194 = arith.constant 0 : i32
    %dma_wait3A_195 = tpu.memref_slice %arg7[%dma_wait3A_180, %add3A_61, %dma_wait3A_194] : memref<1x192x133xf32, #tpu.memory_space<vmem>> -> memref<1x8x128xf32, #tpu.memory_space<vmem>>
    %dma_wait3A_196 = tpu.memref_squeeze %dma_wait3A_195 : memref<1x8x128xf32, #tpu.memory_space<vmem>> -> memref<8x128xf32, #tpu.memory_space<vmem>>
    tpu.wait_dma2 semaphore(%arg9 : memref<!tpu.dma_semaphore, #tpu.memory_space<semaphore_mem>>) src(%dma_wait3A_196 : memref<8x128xf32, #tpu.memory_space<vmem>>) dst(%dma_wait3A_193 : memref<8x128xf32, #tpu.memory_space<hbm>>)
    %rem3A_197 = arith.constant 199 : i32
    %rem3A_198 = arith.constant 3 : i32
    %rem3A_199 = arith.remsi %rem3A_197, %rem3A_198 : i32
    %mul3A_200 = arith.constant 64 : i32
    %mul3A_201 = arith.muli %rem3A_199, %mul3A_200 : i32
    %add3A_202 = arith.constant 0 : i32
    %add3A_203 = arith.addi %mul3A_201, %add3A_202 : i32
    %mul3A_204 = arith.constant 64 : i32
    %mul3A_205 = arith.muli %rem3A_199, %mul3A_204 : i32
    %add3A_206 = arith.constant 8 : i32
    %add3A_207 = arith.addi %mul3A_205, %add3A_206 : i32
    %mul3A_208 = arith.constant 64 : i32
    %mul3A_209 = arith.muli %rem3A_199, %mul3A_208 : i32
    %add3A_210 = arith.constant 16 : i32
    %add3A_211 = arith.addi %mul3A_209, %add3A_210 : i32
    %mul3A_212 = arith.constant 64 : i32
    %mul3A_213 = arith.muli %rem3A_199, %mul3A_212 : i32
    %add3A_214 = arith.constant 24 : i32
    %add3A_215 = arith.addi %mul3A_213, %add3A_214 : i32
    %mul3A_216 = arith.constant 64 : i32
    %mul3A_217 = arith.muli %rem3A_199, %mul3A_216 : i32
    %add3A_218 = arith.constant 32 : i32
    %add3A_219 = arith.addi %mul3A_217, %add3A_218 : i32
    %mul3A_220 = arith.constant 64 : i32
    %mul3A_221 = arith.muli %rem3A_199, %mul3A_220 : i32
    %add3A_222 = arith.constant 40 : i32
    %add3A_223 = arith.addi %mul3A_221, %add3A_222 : i32
    %mul3A_224 = arith.constant 64 : i32
    %mul3A_225 = arith.muli %rem3A_199, %mul3A_224 : i32
    %add3A_226 = arith.constant 48 : i32
    %add3A_227 = arith.addi %mul3A_225, %add3A_226 : i32
    %mul3A_228 = arith.constant 64 : i32
    %mul3A_229 = arith.muli %rem3A_199, %mul3A_228 : i32
    %add3A_230 = arith.constant 56 : i32
    %add3A_231 = arith.addi %mul3A_229, %add3A_230 : i32
    %dma_wait3A_232 = arith.constant 0 : i32
    %dma_wait3A_233 = arith.constant 199 : i32
    %dma_wait3A_234 = arith.constant 0 : i32
    %dma_wait3A_235 = arith.constant 0 : i32
    %dma_wait3A_236 = tpu.memref_slice %arg7[%dma_wait3A_232, %add3A_203, %dma_wait3A_235] : memref<1x192x133xf32, #tpu.memory_space<vmem>> -> memref<1x8x128xf32, #tpu.memory_space<vmem>>
    %dma_wait3A_237 = tpu.memref_squeeze %dma_wait3A_236 : memref<1x8x128xf32, #tpu.memory_space<vmem>> -> memref<8x128xf32, #tpu.memory_space<vmem>>
    %dma_wait3A_238 = arith.constant 0 : i32
    %dma_wait3A_239 = arith.constant 0 : i32
    %dma_wait3A_240 = tpu.memref_slice %arg4[%dma_wait3A_233, %dma_wait3A_234, %add3A, %dma_wait3A_238, %dma_wait3A_239] : memref<200x8x32x8x128xf32, #tpu.memory_space<hbm>> -> memref<1x1x1x8x128xf32, #tpu.memory_space<hbm>>
    %dma_wait3A_241 = tpu.memref_squeeze %dma_wait3A_240 : memref<1x1x1x8x128xf32, #tpu.memory_space<hbm>> -> memref<8x128xf32, #tpu.memory_space<hbm>>
    %dma_wait3A_242 = arith.constant 0 : i32
    %dma_wait3A_243 = arith.constant 0 : i32
    %dma_wait3A_244 = tpu.memref_slice %arg4[%dma_wait3A_233, %dma_wait3A_234, %add3A, %dma_wait3A_242, %dma_wait3A_243] : memref<200x8x32x8x128xf32, #tpu.memory_space<hbm>> -> memref<1x1x1x8x128xf32, #tpu.memory_space<hbm>>
    %dma_wait3A_245 = tpu.memref_squeeze %dma_wait3A_244 : memref<1x1x1x8x128xf32, #tpu.memory_space<hbm>> -> memref<8x128xf32, #tpu.memory_space<hbm>>
    %dma_wait3A_246 = arith.constant 0 : i32
    %dma_wait3A_247 = tpu.memref_slice %arg7[%dma_wait3A_232, %add3A_203, %dma_wait3A_246] : memref<1x192x133xf32, #tpu.memory_space<vmem>> -> memref<1x8x128xf32, #tpu.memory_space<vmem>>
    %dma_wait3A_248 = tpu.memref_squeeze %dma_wait3A_247 : memref<1x8x128xf32, #tpu.memory_space<vmem>> -> memref<8x128xf32, #tpu.memory_space<vmem>>
    tpu.wait_dma2 semaphore(%arg9 : memref<!tpu.dma_semaphore, #tpu.memory_space<semaphore_mem>>) src(%dma_wait3A_248 : memref<8x128xf32, #tpu.memory_space<vmem>>) dst(%dma_wait3A_245 : memref<8x128xf32, #tpu.memory_space<hbm>>)
    %dma_wait3A_249 = arith.constant 0 : i32
    %dma_wait3A_250 = arith.constant 199 : i32
    %dma_wait3A_251 = arith.constant 1 : i32
    %dma_wait3A_252 = arith.constant 0 : i32
    %dma_wait3A_253 = tpu.memref_slice %arg7[%dma_wait3A_249, %add3A_207, %dma_wait3A_252] : memref<1x192x133xf32, #tpu.memory_space<vmem>> -> memref<1x8x128xf32, #tpu.memory_space<vmem>>
    %dma_wait3A_254 = tpu.memref_squeeze %dma_wait3A_253 : memref<1x8x128xf32, #tpu.memory_space<vmem>> -> memref<8x128xf32, #tpu.memory_space<vmem>>
    %dma_wait3A_255 = arith.constant 0 : i32
    %dma_wait3A_256 = arith.constant 0 : i32
    %dma_wait3A_257 = tpu.memref_slice %arg4[%dma_wait3A_250, %dma_wait3A_251, %add3A, %dma_wait3A_255, %dma_wait3A_256] : memref<200x8x32x8x128xf32, #tpu.memory_space<hbm>> -> memref<1x1x1x8x128xf32, #tpu.memory_space<hbm>>
    %dma_wait3A_258 = tpu.memref_squeeze %dma_wait3A_257 : memref<1x1x1x8x128xf32, #tpu.memory_space<hbm>> -> memref<8x128xf32, #tpu.memory_space<hbm>>
    %dma_wait3A_259 = arith.constant 0 : i32
    %dma_wait3A_260 = arith.constant 0 : i32
    %dma_wait3A_261 = tpu.memref_slice %arg4[%dma_wait3A_250, %dma_wait3A_251, %add3A, %dma_wait3A_259, %dma_wait3A_260] : memref<200x8x32x8x128xf32, #tpu.memory_space<hbm>> -> memref<1x1x1x8x128xf32, #tpu.memory_space<hbm>>
    %dma_wait3A_262 = tpu.memref_squeeze %dma_wait3A_261 : memref<1x1x1x8x128xf32, #tpu.memory_space<hbm>> -> memref<8x128xf32, #tpu.memory_space<hbm>>
    %dma_wait3A_263 = arith.constant 0 : i32
    %dma_wait3A_264 = tpu.memref_slice %arg7[%dma_wait3A_249, %add3A_207, %dma_wait3A_263] : memref<1x192x133xf32, #tpu.memory_space<vmem>> -> memref<1x8x128xf32, #tpu.memory_space<vmem>>
    %dma_wait3A_265 = tpu.memref_squeeze %dma_wait3A_264 : memref<1x8x128xf32, #tpu.memory_space<vmem>> -> memref<8x128xf32, #tpu.memory_space<vmem>>
    tpu.wait_dma2 semaphore(%arg9 : memref<!tpu.dma_semaphore, #tpu.memory_space<semaphore_mem>>) src(%dma_wait3A_265 : memref<8x128xf32, #tpu.memory_space<vmem>>) dst(%dma_wait3A_262 : memref<8x128xf32, #tpu.memory_space<hbm>>)
    %dma_wait3A_266 = arith.constant 0 : i32
    %dma_wait3A_267 = arith.constant 199 : i32
    %dma_wait3A_268 = arith.constant 2 : i32
    %dma_wait3A_269 = arith.constant 0 : i32
    %dma_wait3A_270 = tpu.memref_slice %arg7[%dma_wait3A_266, %add3A_211, %dma_wait3A_269] : memref<1x192x133xf32, #tpu.memory_space<vmem>> -> memref<1x8x128xf32, #tpu.memory_space<vmem>>
    %dma_wait3A_271 = tpu.memref_squeeze %dma_wait3A_270 : memref<1x8x128xf32, #tpu.memory_space<vmem>> -> memref<8x128xf32, #tpu.memory_space<vmem>>
    %dma_wait3A_272 = arith.constant 0 : i32
    %dma_wait3A_273 = arith.constant 0 : i32
    %dma_wait3A_274 = tpu.memref_slice %arg4[%dma_wait3A_267, %dma_wait3A_268, %add3A, %dma_wait3A_272, %dma_wait3A_273] : memref<200x8x32x8x128xf32, #tpu.memory_space<hbm>> -> memref<1x1x1x8x128xf32, #tpu.memory_space<hbm>>
    %dma_wait3A_275 = tpu.memref_squeeze %dma_wait3A_274 : memref<1x1x1x8x128xf32, #tpu.memory_space<hbm>> -> memref<8x128xf32, #tpu.memory_space<hbm>>
    %dma_wait3A_276 = arith.constant 0 : i32
    %dma_wait3A_277 = arith.constant 0 : i32
    %dma_wait3A_278 = tpu.memref_slice %arg4[%dma_wait3A_267, %dma_wait3A_268, %add3A, %dma_wait3A_276, %dma_wait3A_277] : memref<200x8x32x8x128xf32, #tpu.memory_space<hbm>> -> memref<1x1x1x8x128xf32, #tpu.memory_space<hbm>>
    %dma_wait3A_279 = tpu.memref_squeeze %dma_wait3A_278 : memref<1x1x1x8x128xf32, #tpu.memory_space<hbm>> -> memref<8x128xf32, #tpu.memory_space<hbm>>
    %dma_wait3A_280 = arith.constant 0 : i32
    %dma_wait3A_281 = tpu.memref_slice %arg7[%dma_wait3A_266, %add3A_211, %dma_wait3A_280] : memref<1x192x133xf32, #tpu.memory_space<vmem>> -> memref<1x8x128xf32, #tpu.memory_space<vmem>>
    %dma_wait3A_282 = tpu.memref_squeeze %dma_wait3A_281 : memref<1x8x128xf32, #tpu.memory_space<vmem>> -> memref<8x128xf32, #tpu.memory_space<vmem>>
    tpu.wait_dma2 semaphore(%arg9 : memref<!tpu.dma_semaphore, #tpu.memory_space<semaphore_mem>>) src(%dma_wait3A_282 : memref<8x128xf32, #tpu.memory_space<vmem>>) dst(%dma_wait3A_279 : memref<8x128xf32, #tpu.memory_space<hbm>>)
    %dma_wait3A_283 = arith.constant 0 : i32
    %dma_wait3A_284 = arith.constant 199 : i32
    %dma_wait3A_285 = arith.constant 3 : i32
    %dma_wait3A_286 = arith.constant 0 : i32
    %dma_wait3A_287 = tpu.memref_slice %arg7[%dma_wait3A_283, %add3A_215, %dma_wait3A_286] : memref<1x192x133xf32, #tpu.memory_space<vmem>> -> memref<1x8x128xf32, #tpu.memory_space<vmem>>
    %dma_wait3A_288 = tpu.memref_squeeze %dma_wait3A_287 : memref<1x8x128xf32, #tpu.memory_space<vmem>> -> memref<8x128xf32, #tpu.memory_space<vmem>>
    %dma_wait3A_289 = arith.constant 0 : i32
    %dma_wait3A_290 = arith.constant 0 : i32
    %dma_wait3A_291 = tpu.memref_slice %arg4[%dma_wait3A_284, %dma_wait3A_285, %add3A, %dma_wait3A_289, %dma_wait3A_290] : memref<200x8x32x8x128xf32, #tpu.memory_space<hbm>> -> memref<1x1x1x8x128xf32, #tpu.memory_space<hbm>>
    %dma_wait3A_292 = tpu.memref_squeeze %dma_wait3A_291 : memref<1x1x1x8x128xf32, #tpu.memory_space<hbm>> -> memref<8x128xf32, #tpu.memory_space<hbm>>
    %dma_wait3A_293 = arith.constant 0 : i32
    %dma_wait3A_294 = arith.constant 0 : i32
    %dma_wait3A_295 = tpu.memref_slice %arg4[%dma_wait3A_284, %dma_wait3A_285, %add3A, %dma_wait3A_293, %dma_wait3A_294] : memref<200x8x32x8x128xf32, #tpu.memory_space<hbm>> -> memref<1x1x1x8x128xf32, #tpu.memory_space<hbm>>
    %dma_wait3A_296 = tpu.memref_squeeze %dma_wait3A_295 : memref<1x1x1x8x128xf32, #tpu.memory_space<hbm>> -> memref<8x128xf32, #tpu.memory_space<hbm>>
    %dma_wait3A_297 = arith.constant 0 : i32
    %dma_wait3A_298 = tpu.memref_slice %arg7[%dma_wait3A_283, %add3A_215, %dma_wait3A_297] : memref<1x192x133xf32, #tpu.memory_space<vmem>> -> memref<1x8x128xf32, #tpu.memory_space<vmem>>
    %dma_wait3A_299 = tpu.memref_squeeze %dma_wait3A_298 : memref<1x8x128xf32, #tpu.memory_space<vmem>> -> memref<8x128xf32, #tpu.memory_space<vmem>>
    tpu.wait_dma2 semaphore(%arg9 : memref<!tpu.dma_semaphore, #tpu.memory_space<semaphore_mem>>) src(%dma_wait3A_299 : memref<8x128xf32, #tpu.memory_space<vmem>>) dst(%dma_wait3A_296 : memref<8x128xf32, #tpu.memory_space<hbm>>)
    %dma_wait3A_300 = arith.constant 0 : i32
    %dma_wait3A_301 = arith.constant 199 : i32
    %dma_wait3A_302 = arith.constant 4 : i32
    %dma_wait3A_303 = arith.constant 0 : i32
    %dma_wait3A_304 = tpu.memref_slice %arg7[%dma_wait3A_300, %add3A_219, %dma_wait3A_303] : memref<1x192x133xf32, #tpu.memory_space<vmem>> -> memref<1x8x128xf32, #tpu.memory_space<vmem>>
    %dma_wait3A_305 = tpu.memref_squeeze %dma_wait3A_304 : memref<1x8x128xf32, #tpu.memory_space<vmem>> -> memref<8x128xf32, #tpu.memory_space<vmem>>
    %dma_wait3A_306 = arith.constant 0 : i32
    %dma_wait3A_307 = arith.constant 0 : i32
    %dma_wait3A_308 = tpu.memref_slice %arg4[%dma_wait3A_301, %dma_wait3A_302, %add3A, %dma_wait3A_306, %dma_wait3A_307] : memref<200x8x32x8x128xf32, #tpu.memory_space<hbm>> -> memref<1x1x1x8x128xf32, #tpu.memory_space<hbm>>
    %dma_wait3A_309 = tpu.memref_squeeze %dma_wait3A_308 : memref<1x1x1x8x128xf32, #tpu.memory_space<hbm>> -> memref<8x128xf32, #tpu.memory_space<hbm>>
    %dma_wait3A_310 = arith.constant 0 : i32
    %dma_wait3A_311 = arith.constant 0 : i32
    %dma_wait3A_312 = tpu.memref_slice %arg4[%dma_wait3A_301, %dma_wait3A_302, %add3A, %dma_wait3A_310, %dma_wait3A_311] : memref<200x8x32x8x128xf32, #tpu.memory_space<hbm>> -> memref<1x1x1x8x128xf32, #tpu.memory_space<hbm>>
    %dma_wait3A_313 = tpu.memref_squeeze %dma_wait3A_312 : memref<1x1x1x8x128xf32, #tpu.memory_space<hbm>> -> memref<8x128xf32, #tpu.memory_space<hbm>>
    %dma_wait3A_314 = arith.constant 0 : i32
    %dma_wait3A_315 = tpu.memref_slice %arg7[%dma_wait3A_300, %add3A_219, %dma_wait3A_314] : memref<1x192x133xf32, #tpu.memory_space<vmem>> -> memref<1x8x128xf32, #tpu.memory_space<vmem>>
    %dma_wait3A_316 = tpu.memref_squeeze %dma_wait3A_315 : memref<1x8x128xf32, #tpu.memory_space<vmem>> -> memref<8x128xf32, #tpu.memory_space<vmem>>
    tpu.wait_dma2 semaphore(%arg9 : memref<!tpu.dma_semaphore, #tpu.memory_space<semaphore_mem>>) src(%dma_wait3A_316 : memref<8x128xf32, #tpu.memory_space<vmem>>) dst(%dma_wait3A_313 : memref<8x128xf32, #tpu.memory_space<hbm>>)
    %dma_wait3A_317 = arith.constant 0 : i32
    %dma_wait3A_318 = arith.constant 199 : i32
    %dma_wait3A_319 = arith.constant 5 : i32
    %dma_wait3A_320 = arith.constant 0 : i32
    %dma_wait3A_321 = tpu.memref_slice %arg7[%dma_wait3A_317, %add3A_223, %dma_wait3A_320] : memref<1x192x133xf32, #tpu.memory_space<vmem>> -> memref<1x8x128xf32, #tpu.memory_space<vmem>>
    %dma_wait3A_322 = tpu.memref_squeeze %dma_wait3A_321 : memref<1x8x128xf32, #tpu.memory_space<vmem>> -> memref<8x128xf32, #tpu.memory_space<vmem>>
    %dma_wait3A_323 = arith.constant 0 : i32
    %dma_wait3A_324 = arith.constant 0 : i32
    %dma_wait3A_325 = tpu.memref_slice %arg4[%dma_wait3A_318, %dma_wait3A_319, %add3A, %dma_wait3A_323, %dma_wait3A_324] : memref<200x8x32x8x128xf32, #tpu.memory_space<hbm>> -> memref<1x1x1x8x128xf32, #tpu.memory_space<hbm>>
    %dma_wait3A_326 = tpu.memref_squeeze %dma_wait3A_325 : memref<1x1x1x8x128xf32, #tpu.memory_space<hbm>> -> memref<8x128xf32, #tpu.memory_space<hbm>>
    %dma_wait3A_327 = arith.constant 0 : i32
    %dma_wait3A_328 = arith.constant 0 : i32
    %dma_wait3A_329 = tpu.memref_slice %arg4[%dma_wait3A_318, %dma_wait3A_319, %add3A, %dma_wait3A_327, %dma_wait3A_328] : memref<200x8x32x8x128xf32, #tpu.memory_space<hbm>> -> memref<1x1x1x8x128xf32, #tpu.memory_space<hbm>>
    %dma_wait3A_330 = tpu.memref_squeeze %dma_wait3A_329 : memref<1x1x1x8x128xf32, #tpu.memory_space<hbm>> -> memref<8x128xf32, #tpu.memory_space<hbm>>
    %dma_wait3A_331 = arith.constant 0 : i32
    %dma_wait3A_332 = tpu.memref_slice %arg7[%dma_wait3A_317, %add3A_223, %dma_wait3A_331] : memref<1x192x133xf32, #tpu.memory_space<vmem>> -> memref<1x8x128xf32, #tpu.memory_space<vmem>>
    %dma_wait3A_333 = tpu.memref_squeeze %dma_wait3A_332 : memref<1x8x128xf32, #tpu.memory_space<vmem>> -> memref<8x128xf32, #tpu.memory_space<vmem>>
    tpu.wait_dma2 semaphore(%arg9 : memref<!tpu.dma_semaphore, #tpu.memory_space<semaphore_mem>>) src(%dma_wait3A_333 : memref<8x128xf32, #tpu.memory_space<vmem>>) dst(%dma_wait3A_330 : memref<8x128xf32, #tpu.memory_space<hbm>>)
    %dma_wait3A_334 = arith.constant 0 : i32
    %dma_wait3A_335 = arith.constant 199 : i32
    %dma_wait3A_336 = arith.constant 6 : i32
    %dma_wait3A_337 = arith.constant 0 : i32
    %dma_wait3A_338 = tpu.memref_slice %arg7[%dma_wait3A_334, %add3A_227, %dma_wait3A_337] : memref<1x192x133xf32, #tpu.memory_space<vmem>> -> memref<1x8x128xf32, #tpu.memory_space<vmem>>
    %dma_wait3A_339 = tpu.memref_squeeze %dma_wait3A_338 : memref<1x8x128xf32, #tpu.memory_space<vmem>> -> memref<8x128xf32, #tpu.memory_space<vmem>>
    %dma_wait3A_340 = arith.constant 0 : i32
    %dma_wait3A_341 = arith.constant 0 : i32
    %dma_wait3A_342 = tpu.memref_slice %arg4[%dma_wait3A_335, %dma_wait3A_336, %add3A, %dma_wait3A_340, %dma_wait3A_341] : memref<200x8x32x8x128xf32, #tpu.memory_space<hbm>> -> memref<1x1x1x8x128xf32, #tpu.memory_space<hbm>>
    %dma_wait3A_343 = tpu.memref_squeeze %dma_wait3A_342 : memref<1x1x1x8x128xf32, #tpu.memory_space<hbm>> -> memref<8x128xf32, #tpu.memory_space<hbm>>
    %dma_wait3A_344 = arith.constant 0 : i32
    %dma_wait3A_345 = arith.constant 0 : i32
    %dma_wait3A_346 = tpu.memref_slice %arg4[%dma_wait3A_335, %dma_wait3A_336, %add3A, %dma_wait3A_344, %dma_wait3A_345] : memref<200x8x32x8x128xf32, #tpu.memory_space<hbm>> -> memref<1x1x1x8x128xf32, #tpu.memory_space<hbm>>
    %dma_wait3A_347 = tpu.memref_squeeze %dma_wait3A_346 : memref<1x1x1x8x128xf32, #tpu.memory_space<hbm>> -> memref<8x128xf32, #tpu.memory_space<hbm>>
    %dma_wait3A_348 = arith.constant 0 : i32
    %dma_wait3A_349 = tpu.memref_slice %arg7[%dma_wait3A_334, %add3A_227, %dma_wait3A_348] : memref<1x192x133xf32, #tpu.memory_space<vmem>> -> memref<1x8x128xf32, #tpu.memory_space<vmem>>
    %dma_wait3A_350 = tpu.memref_squeeze %dma_wait3A_349 : memref<1x8x128xf32, #tpu.memory_space<vmem>> -> memref<8x128xf32, #tpu.memory_space<vmem>>
    tpu.wait_dma2 semaphore(%arg9 : memref<!tpu.dma_semaphore, #tpu.memory_space<semaphore_mem>>) src(%dma_wait3A_350 : memref<8x128xf32, #tpu.memory_space<vmem>>) dst(%dma_wait3A_347 : memref<8x128xf32, #tpu.memory_space<hbm>>)
    %dma_wait3A_351 = arith.constant 0 : i32
    %dma_wait3A_352 = arith.constant 199 : i32
    %dma_wait3A_353 = arith.constant 7 : i32
    %dma_wait3A_354 = arith.constant 0 : i32
    %dma_wait3A_355 = tpu.memref_slice %arg7[%dma_wait3A_351, %add3A_231, %dma_wait3A_354] : memref<1x192x133xf32, #tpu.memory_space<vmem>> -> memref<1x8x128xf32, #tpu.memory_space<vmem>>
    %dma_wait3A_356 = tpu.memref_squeeze %dma_wait3A_355 : memref<1x8x128xf32, #tpu.memory_space<vmem>> -> memref<8x128xf32, #tpu.memory_space<vmem>>
    %dma_wait3A_357 = arith.constant 0 : i32
    %dma_wait3A_358 = arith.constant 0 : i32
    %dma_wait3A_359 = tpu.memref_slice %arg4[%dma_wait3A_352, %dma_wait3A_353, %add3A, %dma_wait3A_357, %dma_wait3A_358] : memref<200x8x32x8x128xf32, #tpu.memory_space<hbm>> -> memref<1x1x1x8x128xf32, #tpu.memory_space<hbm>>
    %dma_wait3A_360 = tpu.memref_squeeze %dma_wait3A_359 : memref<1x1x1x8x128xf32, #tpu.memory_space<hbm>> -> memref<8x128xf32, #tpu.memory_space<hbm>>
    %dma_wait3A_361 = arith.constant 0 : i32
    %dma_wait3A_362 = arith.constant 0 : i32
    %dma_wait3A_363 = tpu.memref_slice %arg4[%dma_wait3A_352, %dma_wait3A_353, %add3A, %dma_wait3A_361, %dma_wait3A_362] : memref<200x8x32x8x128xf32, #tpu.memory_space<hbm>> -> memref<1x1x1x8x128xf32, #tpu.memory_space<hbm>>
    %dma_wait3A_364 = tpu.memref_squeeze %dma_wait3A_363 : memref<1x1x1x8x128xf32, #tpu.memory_space<hbm>> -> memref<8x128xf32, #tpu.memory_space<hbm>>
    %dma_wait3A_365 = arith.constant 0 : i32
    %dma_wait3A_366 = tpu.memref_slice %arg7[%dma_wait3A_351, %add3A_231, %dma_wait3A_365] : memref<1x192x133xf32, #tpu.memory_space<vmem>> -> memref<1x8x128xf32, #tpu.memory_space<vmem>>
    %dma_wait3A_367 = tpu.memref_squeeze %dma_wait3A_366 : memref<1x8x128xf32, #tpu.memory_space<vmem>> -> memref<8x128xf32, #tpu.memory_space<vmem>>
    tpu.wait_dma2 semaphore(%arg9 : memref<!tpu.dma_semaphore, #tpu.memory_space<semaphore_mem>>) src(%dma_wait3A_367 : memref<8x128xf32, #tpu.memory_space<vmem>>) dst(%dma_wait3A_364 : memref<8x128xf32, #tpu.memory_space<hbm>>)
    return
  }
}

</mosaic_0001>

<sc_bundles>
// kernel: kernel.3.cloned.1.call-start
scs
__scs_entry_jumppad:
0x0: {  	(pc) =	sbr.rel $0x88, $3  }
0x1: {  	(tag) =	ssettag $0x0;
	lr =	simm.s32 $0x1  }
0x2: {  	[smem:$0x3F9F] =	sst lr;
	_ =	strace $0xD0000000  }
0x3: {  	_ = 	snop  }
0x4: {  	_ = 	snop  }
0x5: {  	_ = 	snop  }
0x6: {  	_ = 	snop  }
0x7: {  	_ = 	snop  }
__scs_overlays_trampoline_lowered:
0x8: {  	[smem:$0x3FAE] =	sst s0  }
0x9: {  	[smem:$0x3FAF] =	sst s1  }
0xa: {  	[smem:$0x3FB0] =	sst s2  }
0xb: {  	[smem:$0x3FB1] =	sst s3  }
0xc: {  	[smem:$0x3FB2] =	sst s4  }
0xd: {  	[smem:$0x3FB3] =	sst s5  }
0xe: {  	[smem:$0x3FB4] =	sst s6  }
0xf: {  	[smem:$0x3FB5] =	sst s7  }
0x10: {  	[smem:$0x3FB6] =	sst s8  }
0x11: {  	[smem:$0x3FB7] =	sst s9;
	s0 =	simm.s32 @!p0 $0x0  }
0x12: {  	s1 =	sld [smem:$0x3F9D];
	s0 =	simm.s32 @p0 $0x1  }
0x13: {  	[smem:$0x3FB8] =	sst s0;
	s0 =	simm.s32 @!p1 $0x0  }
0x14: {  	s2 =	sld [smem:$0x3F9C];
	s0 =	simm.s32 @p1 $0x1  }
0x15: {  	[smem:$0x3FB9] =	sst s0;
	s0 =	simm.s32 @!p2 $0x0  }
0x16: {  	s3 =	sld [smem:$0x3FDB];
	s0 =	simm.s32 @p2 $0x1  }
0x17: {  	s4 =	simm.s32 $0x1BF5;
	[smem:$0x3FBB] =	sst s0  }
0x18: {  	s0 =	sld [smem:$0x3F9E];
	_ =	swait.ge [sflag:s4], $0x0  }
0x19: {  	s7 =	sld [smem:$0x3F9F]  }
0x1a: {  	s8 =	sadd.s32 $0xFFFFE003, lr  }
0x1b: {  	s9 =	sadd.s32 $0xFFFFFEF7, lr;
	s5 =	simm.s32 $0xFFFFFFFF;
	p2 =	slt.u32 s8, $0xFFFFF086  }
0x1c: {  	p1 =	slt.u32 s9, $0xF7A;
	s5 =	simm.s32 @!p2 $0x0  }
0x1d: {  	s5 =	simm.s32 @p1 $0x1;
	p0 =	seq.s32 s7, s2  }
0x1e: {  	s7 =	smul.u32 @!p0 $0xF7A, s2;
	p2 =	seq.s32 @!p0 s5, $0x0  }
0x1f: {  	s9 =	smul.u32 $0xF7A, s1;
	s8 =	simm.s32 @!p0 $0x1BF5;
	p2 =	por !p2, p0  }
0x20: {  	[sflag:s8] =	ssyncset.s32 @!p0 $0xFFFFF086;
	s6 =	sadd.s32 @!p0 s3, s7;
	s7 =	simm.s32 @!p0 $0x108  }
0x21: {  	s3 =	sadd.s32 s3, s9;
	s6 =	sadd.s32 @!p0 $0x88, s6;
	s7 =	simm.s32 @p2 $0x1082  }
0x22: {  	[simem:s7], [sflag:s8] =	dma.local @!p0 [hbm:s6], $0xF7A  }
0x23: {  	s9 =	sor.u32 $0xD0000000, s2;
	s6 =	simm.s32 $0x108;
	_ =	swait.ge @!p0 [sflag:s8], $0x0  }
0x24: {  	s3 =	sadd.s32 $0x88, s3;
	s6 =	simm.s32 @!p1 $0x1082;
	[sflag:s4] =	ssyncset.s32 $0xFFFFF086  }
0x25: {  	[simem:s6], [sflag:s4] =	dma.local [hbm:s3], $0xF7A  }
0x26: {  	[smem:$0x3F9F] =	sst s1;
	(tag) =	ssettag s2;
	_ =	strace s9  }
0x27: {  	s1 =	sld [smem:$0x3FAF]  }
0x28: {  	s2 =	sld [smem:$0x3FB0]  }
0x29: {  	s4 =	sld [smem:$0x3FB2]  }
0x2a: {  	p0 =	seq.s32 s5, $0x0;
	s5 =	sld [smem:$0x3FB3]  }
0x2b: {  	s6 =	sld [smem:$0x3FB4]  }
0x2c: {  	s7 =	sld [smem:$0x3FB5]  }
0x2d: {  	s3 =	simm.s32 $0x108;
	s8 =	sld [smem:$0x3FB6]  }
0x2e: {  	s3 =	simm.s32 @!p0 $0x1082;
	s9 =	sld [smem:$0x3FB7]  }
0x2f: {  	lr =	sadd.s32 s0, s3;
	s0 =	sld [smem:$0x3FAE]  }
0x30: {  	s3 =	sld [smem:$0x3FB1]  }
0x31: {  	[smem:$0x3FBA] =	sst s10  }
0x32: {  	s10 =	sld [smem:$0x3FB8];
	_ =	sdelay $0x3  }
0x33: {  	p0 =	seq.s32 s10, $0x1;
	s10 =	sld [smem:$0x3FBA];
	_ =	sdelay $0x3  }
0x34: {  	[smem:$0x3FBA] =	sst s10  }
0x35: {  	s10 =	sld [smem:$0x3FB9];
	_ =	sdelay $0x3  }
0x36: {  	p1 =	seq.s32 s10, $0x1;
	s10 =	sld [smem:$0x3FBA];
	_ =	sdelay $0x3  }
0x37: {  	[smem:$0x3FBA] =	sst s10  }
0x38: {  	s10 =	sld [smem:$0x3FBB]  }
0x39: {  	_ = 	snop;
	(pc) =	sbr.ind lr, $3  }
0x3a: {  	_ = 	snop  }
0x3b: {  	_ = 	snop  }
0x3c: {  	p2 =	seq.s32 s10, $0x1;
	s10 =	sld [smem:$0x3FBA]  }
0x3d: {  	_ =	shalt  }
0x3e: {  	_ =	shalt  }
0x3f: {  	_ =	shalt  }
0x40: {  	_ =	shalt  }
0x41: {  	_ =	shalt  }
0x42: {  	_ =	shalt  }
0x43: {  	_ =	shalt  }
0x44: {  	_ =	shalt  }
0x45: {  	_ =	shalt  }
0x46: {  	_ =	shalt  }
0x47: {  	_ =	shalt  }
0x48: {  	_ =	shalt  }
0x49: {  	_ =	shalt  }
0x4a: {  	_ =	shalt  }
0x4b: {  	_ =	shalt  }
0x4c: {  	_ =	shalt  }
0x4d: {  	_ =	shalt  }
0x4e: {  	_ =	shalt  }
0x4f: {  	_ =	shalt  }
0x50: {  	_ =	shalt  }
0x51: {  	_ =	shalt  }
0x52: {  	_ =	shalt  }
0x53: {  	_ =	shalt  }
0x54: {  	_ =	shalt  }
0x55: {  	_ =	shalt  }
0x56: {  	_ =	shalt  }
0x57: {  	_ =	shalt  }
0x58: {  	_ =	shalt  }
0x59: {  	_ =	shalt  }
0x5a: {  	_ =	shalt  }
0x5b: {  	_ =	shalt  }
0x5c: {  	_ =	shalt  }
0x5d: {  	_ =	shalt  }
0x5e: {  	_ =	shalt  }
0x5f: {  	_ =	shalt  }
0x60: {  	_ =	shalt  }
0x61: {  	_ =	shalt  }
0x62: {  	_ =	shalt  }
0x63: {  	_ =	shalt  }
0x64: {  	_ =	shalt  }
0x65: {  	_ =	shalt  }
0x66: {  	_ =	shalt  }
0x67: {  	_ =	shalt  }
0x68: {  	_ =	shalt  }
0x69: {  	_ =	shalt  }
0x6a: {  	_ =	shalt  }
0x6b: {  	_ =	shalt  }
0x6c: {  	_ =	shalt  }
0x6d: {  	_ =	shalt  }
0x6e: {  	_ =	shalt  }
0x6f: {  	_ =	shalt  }
0x70: {  	_ =	shalt  }
0x71: {  	_ =	shalt  }
0x72: {  	_ =	shalt  }
0x73: {  	_ =	shalt  }
0x74: {  	_ =	shalt  }
0x75: {  	_ =	shalt  }
0x76: {  	_ =	shalt  }
0x77: {  	_ =	shalt  }
0x78: {  	_ =	shalt  }
0x79: {  	_ =	shalt  }
0x7a: {  	_ =	shalt  }
0x7b: {  	_ =	shalt  }
0x7c: {  	_ =	shalt  }
0x7d: {  	_ =	shalt  }
0x7e: {  	_ =	shalt  }
0x7f: {  	_ =	shalt  }
0x80: {  	_ =	shalt  }
0x81: {  	_ =	shalt  }
0x82: {  	_ =	shalt  }
0x83: {  	_ =	shalt  }
0x84: {  	_ =	shalt  }
0x85: {  	_ =	shalt  }
0x86: {  	_ =	shalt  }
0x87: {  	_ =	shalt  }
.Lfunc_end0:
.L_simem_size_0:
called_computation.1_lowered:
.L_overlay_start_0:
0x88: {  	s2 =	sld [smem:$0x3FD9]  }
0x89: {  	s3 =	sld [smem:$0x3FFE];
	_ =	sdelay $0x1  }
0x8a: {  	s1 =	srdreg.scid  }
0x8b: {  	s0 =	sand.u32 $0x1, s1  }
0x8c: {  	s17 =	sshll.u32 s0, $0xA;
	s2 =	sadd.s32 s3, s2  }
0x8d: {  	s2 =	sadd.s32 s2, s17  }
0x8e: {  	[smem:$0x3FC6] =	sst s2  }
0x8f: {  	_ = 	snop  }
0x90: {  	s2 =	sld [smem:$0x3FD0];
	(tm) =	ssettm $0x1  }
0x91: {  	s18 =	sld [smem:$0x3FFB];
	_ =	sdelay $0x3  }
0x92: {  	_ =	strace s18  }
0x93: {  	s3 =	sld [smem:$0x3FFC];
	_ =	sdelay $0x3  }
0x94: {  	_ =	strace s3  }
0x95: {  	s3 =	sld [smem:$0x3FFD];
	_ =	sdelay $0x3  }
0x96: {  	_ =	strace s3  }
0x97: {  	_ =	strace $0x8FFFFFFF  }
0x98: {  	s19 =	sld [smem:$0x3FDB];
	_ =	sdelay $0x1  }
0x99: {  	s4 =	simm.s32 $_scs_section_size  }
0x9a: {  	s5 =	simm.s32 $_size__tile_overlayer_lowered;
	s6 =	simm.s32 $_tile_overlayer_lowered  }
0x9b: {  	s22 =	simm.s32 $0x1BFF;
	s21 =	sshll.u32 s6, $0x1;
	s3 =	sadd.s32 s4, s19  }
0x9c: {  	s7 =	simm.s32 $0x0;
	s20 =	sshll.u32 s5, $0x1;
	s5 =	sadd.s32 s21, s3  }
0x9d: {  	[timem:s7], [sflag:s22] =	dma.local [hbm:s5], s20  }
0x9e: {  	_ =	swait.ge [sflag:s22], s20  }
0x9f: {  	s4 =	ssub.s32 $0x0, s20;
	[sflag:s22] =	ssyncset.done $0x0  }
0xa0: {  	[sflag:s22] =	ssyncadd.s32 s4;
	_ =	sdelay $0x1  }
0xa1: {  	s23 =	simm.s32 $0x1B8B  }
0xa2: {  	_ =	swait.ge [sflag:s23], $0x1  }
0xa3: {  	[sflag:s23] =	ssyncset.done $0x0  }
0xa4: {  	s25 =	simm.s32 $0x1B8E;
	s24 =	sld [smem:$0x3FFE];
	[sflag:s23] =	ssyncadd.s32 $0xFFFFFFFF  }
0xa5: {  	s26 =	simm.s32 $execute0_lowered;
	[smem:$0x3FD2] =	sst s25  }
0xa6: {  	s5 =	sshll.u32 s26, $0x1;
	_ =	strace $0x80000049;
	[dreg:$0x1] =	wrdreg $0xFFFFFFFF  }
0xa7: {  	s28 =	simm.s32 $_size_execute0_lowered;
	s3 =	sadd.s32 s3, s5;
	[dreg:$0x0] =	wrdreg $0x0  }
0xa8: {  	s5 =	sshll.u32 s28, $0x1;
	[dreg:$0x2] =	wrdreg s3  }
0xa9: {  	[dreg:$0x3] =	wrdreg s5  }
0xaa: {  	[dreg:$0x4] =	wrdreg $0xC0  }
0xab: {  	_ =	task [dreg:s7], $0x5FFFF  }
0xac: {  	[dreg:$0x1] =	wrdreg $0xFFFFFFFF  }
0xad: {  	[dreg:$0x0] =	wrdreg $0x60  }
0xae: {  	[dreg:$0x2] =	wrdreg s24  }
0xaf: {  	[dreg:$0x3] =	wrdreg s2  }
0xb0: {  	[dreg:$0x4] =	wrdreg $0x9  }
0xb1: {  	_ =	task.clear_ibuf [dreg:s7], $0x5FFFF;
	_ =	strace $0x90000049  }
0xb2: {  	s29 =	simm.s32 $0x9;
	_ =	strace $0x8000004B  }
0xb3: {  	_ =	swait.ge [sflag:s29], $0x1  }
0xb4: {  	[sflag:s29] =	ssyncadd.s32 $0xFFFFFFFF  }
0xb5: {  	_ =	strace $0x9000004B  }
0xb6: {  	_ =	sfence  }
0xb7: {  	s30 =	sld [smem:$0x0];
	_ =	sdelay $0x2  }
0xb8: {  	s31 =	sshll.u32 s1, $0xD;
	s1 =	sshrl.u32 s1, $0x2  }
0xb9: {  	s3 =	sand.u32 $0x4000, s31;
	s1 =	sadd.s32 s1, s30  }
0xba: {  	s0 =	sor.u32 s3, s0;
	s1 =	sshll.u32 s1, $0x11  }
0xbb: {  	s0 =	sor.u32 s1, s0  }
0xbc: {  	s0 =	sadd.s32 $0x8F2B, s0  }
0xbd: {  	[sflag:s0] =	ssyncadd.remote.s32 $0x1  }
0xbe: {  	_ =	sfence.sel $0xFFFF  }
0xbf: {  	[dreg:$0x0] =	wrdreg $0xFFFFFFFF;
	(pc) =	sbr.abs _section_cstart, $3  }
0xc0: {  	[dreg:$0x1] =	wrdreg $0xFFFFFFFF  }
0xc1: {  	_ =	task.clear_ibuf [dreg:s7], $0x2FFFF;
	_ =	strace $0x9FFFFFFF  }
0xc2: {  	(tm) =	ssettm $0x7FFFFFFF  }
0xc3: {  	_ =	shalt  }
tec
execute0_lowered:
.L_overlay_start_1:
0x0: {  	(tag) =	ssettag $0x1  }
0x1: {  	s0 =	rddreg [dreg:$0x0]  }
0x2: {  	s2 =	rddreg [dreg:$0x1]  }
0x3: {  	s1 =	srdreg.scid;
	s4 =	stileid.u32  }
0x4: {  	s3 =	simm.s32 $0x0;
	s15 =	simm.s32 $0x80;
	s16 =	simm.s32 $0x1000  }
0x5: {  	s17 =	simm.s32 $0x3;
	s18 =	simm.s32 $0x8400;
	s19 =	simm.s32 $0x1  }
0x6: {  	s20 =	simm.s32 $0xC400;
	s21 =	simm.s32 $0x2;
	s22 =	simm.s32 $0x0  }
0x7: {  	s1 =	sand.u32 $0x1, s1;
	s4 =	sshll.u32 s4, $0x1;
	[smem:$0x7FF] =	sst s3  }
0x8: {  	s8 =	sadd.s32 $0x2000, s2;
	s9 =	sadd.s32 $0x3000, s2;
	s10 =	sadd.s32 $0x4000, s2  }
0x9: {  	s11 =	sadd.s32 $0x5000, s2;
	s12 =	sadd.s32 $0x6000, s2;
	s13 =	sadd.s32 $0x7000, s2  }
0xa: {  	s6 =	sor.u32 s1, s4;
	s1 =	ssub.s32 $0x2, s1;
	_ =	strace $0x8000004A  }
0xb: {  	s4 =	sadd.s32 $0xF5BE00, s0;
	s5 =	sshll.u32 s6, $0x4;
	s7 =	sshrl.u32 s1, $0x1  }
0xc: {  	v0 =	vlaneseq.u32;
	s6 =	sshll.u32 s6, $0x7;
	s0 =	sadd.s32 s5, s0;
	s1 =	ssub.s32 s1, s7  }
0xd: {  	v0 =	vmul.u32 $0x88, v0;
	s7 =	sadd.s32 $0x1000, s2;
	s5 =	sadd.s32 $0xF42E00, s0;
	s14 =	smax.u32 s1, $0x1  }
.LBB2_1:
0xe: {  	[tilespmem:s3], [sflag:$0x3] =	stream.strided.gather [hbm4b:s5+s15], $0x6400, s16, s15, $0x38;
	[tilespmem:$0x12A00] =	vst v63  }
0xf: {  	_ =	swait.ge [sflag:s17], $0x6400  }
0x10: {  	[sflag:s17] =	ssyncset.done $0x0  }
0x11: {  	s23 =	simm.s32 $0x6400;
	[sflag:s17] =	ssyncadd.s32 $0xFFFF9C00  }
0x12: {  	[tilespmem:s23], [sflag:$0x1] =	stream.indirect.gather [hbm4b:s4+s15], $0x40, s3, s15, $0xb8;
	[tilespmem:$0x12A00] =	vst v63  }
0x13: {  	s24 =	simm.s32 $0x0  }
0x14: {  	[tilespmem:s18], [sflag:$0x1] =	stream.indirect.gather [hbm4b:s4+s15], $0x40, s15, s15, $0xb8;
	[tilespmem:$0x12A00] =	vst v63  }
.LBB2_2:
0x15: {  	p0 =	slt.u32 s24, $0x2  }
0x16: {  	s0 =	simm.s32 @!p0 $0x2  }
0x17: {  	_ =	swait.ge @!p0 [sflag:s0], $0x400  }
0x18: {  	[sflag:s0] =	ssyncset.done @!p0 $0x0  }
0x19: {  	[sflag:s0] =	ssyncadd.s32 @!p0 $0xFFFFFC00  }
0x1a: {  	_ =	swait.ge @!p0 [sflag:s0], $0x400  }
0x1b: {  	[sflag:s0] =	ssyncset.done @!p0 $0x0  }
0x1c: {  	[sflag:s0] =	ssyncadd.s32 @!p0 $0xFFFFFC00  }
0x1d: {  	_ =	swait.ge @!p0 [sflag:s0], $0x400  }
0x1e: {  	[sflag:s0] =	ssyncset.done @!p0 $0x0  }
0x1f: {  	[sflag:s0] =	ssyncadd.s32 @!p0 $0xFFFFFC00  }
0x20: {  	_ =	swait.ge @!p0 [sflag:s0], $0x400  }
0x21: {  	[sflag:s0] =	ssyncset.done @!p0 $0x0  }
0x22: {  	[sflag:s0] =	ssyncadd.s32 @!p0 $0xFFFFFC00  }
0x23: {  	_ =	swait.ge @!p0 [sflag:s0], $0x400  }
0x24: {  	[sflag:s0] =	ssyncset.done @!p0 $0x0  }
0x25: {  	[sflag:s0] =	ssyncadd.s32 @!p0 $0xFFFFFC00  }
0x26: {  	_ =	swait.ge @!p0 [sflag:s0], $0x400  }
0x27: {  	[sflag:s0] =	ssyncset.done @!p0 $0x0  }
0x28: {  	[sflag:s0] =	ssyncadd.s32 @!p0 $0xFFFFFC00  }
0x29: {  	_ =	swait.ge @!p0 [sflag:s0], $0x400  }
0x2a: {  	[sflag:s0] =	ssyncset.done @!p0 $0x0  }
0x2b: {  	[sflag:s0] =	ssyncadd.s32 @!p0 $0xFFFFFC00  }
0x2c: {  	p1 =	sgt.u32 @!p0 s24, $0xC5;
	_ =	swait.ge @!p0 [sflag:s0], $0x400  }
0x2d: {  	p1 =	por p0, !p1;
	[sflag:s0] =	ssyncset.done @!p0 $0x0  }
0x2e: {  	[sflag:s0] =	ssyncadd.s32 @!p0 $0xFFFFFC00;
	s0 =	sadd.s32 @p1 $0x2, s24  }
0x2f: {  	s1 =	smul.u32 @p1 $0xAB, s0;
	_ =	sdelay $0x1  }
0x30: {  	s1 =	sshrl.u32 @p1 s1, $0x9  }
0x31: {  	s1 =	sand.u32 @p1 $0x7F, s1  }
0x32: {  	s1 =	smul.u32 @p1 $0x3, s1;
	_ =	sdelay $0x1  }
0x33: {  	s1 =	ssub.s32 @p1 s0, s1  }
0x34: {  	s1 =	sand.u32 @p1 $0xFF, s1  }
0x35: {  	s0 =	sshll.u32 @p1 s0, $0x7;
	s1 =	sshll.u32 @p1 s1, $0xD  }
0x36: {  	s0 =	sand.u32 @p1 $0x3FFFFF80, s0;
	s1 =	sadd.s32 @p1 $0x6400, s1  }
0x37: {  	[tilespmem:s1], [sflag:$0x1] =	stream.indirect.gather @p1 [hbm4b:s4+s15], $0x40, s0, s15, $0xb8;
	[tilespmem:$0x12A00] =	vst v63  }
0x38: {  	s1 =	smul.u32 $0xAB, s24;
	_ =	sdelay $0x1  }
0x39: {  	s0 =	sshrl.u32 s1, $0x9  }
0x3a: {  	s25 =	smulhi.u32 $0xAAAAAAAB, s24;
	s0 =	sand.u32 $0x7F, s0  }
0x3b: {  	s0 =	smul.u32 $0x3, s0;
	_ =	sdelay $0x1  }
0x3c: {  	s1 =	sshrl.u32 s25, $0x1;
	s0 =	ssub.s32 s24, s0  }
0x3d: {  	s26 =	smul.u32 $0xFFFE8000, s1;
	s29 =	sand.u32 $0xFF, s0  }
0x3e: {  	s1 =	sshll.u32 s29, $0x6  }
0x3f: {  	s0 =	sshra.s32 s26, $0x2;
	v1 =	vmov s1;
	s28 =	sor.u32 $0x10, s1  }
0x40: {  	s26 =	sor.u32 $0x20, s1;
	v2 =	vmul.u32 $0x88, v1;
	v1 =	vmov s0;
	v3 =	vmov s28  }
0x41: {  	v5 =	vmov s26;
	s0 =	simm.s32 $0x3;
	v3 =	vmul.u32 $0x88, v3  }
0x42: {  	_ =	swait.ge [sflag:s19], $0x2000;
	v6 =	vmov s0;
	v5 =	vmul.u32 $0x88, v5;
	v2 =	vbroadcast v2, $0x0  }
0x43: {  	s25 =	simm.s32 $0x0;
	[sflag:s19] =	ssyncset.done $0x0;
	v13 =	vand.u32 $0x78, v6;
	v17 =	vand.u32 $0x7, v6;
	v3 =	vbroadcast v3, $0x0  }
0x44: {  	[sflag:s19] =	ssyncadd.s32 $0xFFFFE000;
	v21 =	vbroadcast v5, $0x0;
	v4 =	vadd.s32 v0, v2;
	v2 =	vmov s25;
	s25 =	simm.s32 $0x1  }
0x45: {  	v12 =	vand.u32 $0x4, v2;
	v7 =	vand.u32 $0x78, v2;
	v2 =	vmov s25;
	v8 =	vld.idx.msk [tilespmem:v1+s23+$0xC0 ss:$0x1], $0xffff  }
0x46: {  	s25 =	simm.s32 $0x2;
	v10 =	vld.idx.msk [tilespmem:v1+s23+$0x0 ss:$0x1], $0xffff;
	v6 =	vadd.s32 v4, v13;
	v5 =	vadd.s32 v0, v3;
	v9 =	vadd.s32 v4, v7  }
0x47: {  	v15 =	vld.idx.msk [tilespmem:v1+s23+$0x40 ss:$0x1], $0xffff;
	v11 =	vmov s25;
	v18 =	vand.u32 $0x78, v2;
	v6 =	vor.u32 v17, v6  }
0x48: {  	v19 =	vand.u32 $0x5, v2;
	v2 =	vor.u32 v12, v9;
	v9 =	vadd.s32 v4, v18  }
0x49: {  	v20 =	vld.idx.msk [tilespmem:v1+s23+$0x80 ss:$0x1], $0xffff;
	v3 =	vadd.s32 v0, v21;
	v16 =	vand.u32 $0x78, v11;
	v9 =	vor.u32 v19, v9  }
0x4a: {  	s30 =	sadd.s32 $0x100, s23;
	s25 =	sor.u32 $0x30, s1;
	v14 =	vand.u32 $0x6, v11;
	v11 =	vadd.s32 v4, v16;
	v8 =	vmul.f32 $8.000000000e+00, v8  }
0x4b: {  	v32 =	vld.idx.msk [tilespmem:v1+s30+$0x40 ss:$0x1], $0xffff;
	v22 =	vmov s25;
	v11 =	vor.u32 v14, v11;
	v10 =	vmul.f32 $8.000000000e+00, v10  }
0x4c: {  	v31 =	vadd.s32 v3, v18;
	v23 =	vadd.s32 v5, v16;
	v15 =	vmul.f32 $8.000000000e+00, v15;
	[tilespmem:v6+s20+$0x0] =	vst.idx.msk $0xffff, v8  }
0x4d: {  	v31 =	vor.u32 v19, v31;
	v6 =	vmul.u32 $0x88, v22;
	[tilespmem:v2+s20+$0x0] =	vst.idx.msk $0xffff, v10;
	v10 =	vld.idx.msk [tilespmem:v1+s23+$0xD0 ss:$0x1], $0xffff  }
0x4e: {  	v2 =	vmul.f32 $8.000000000e+00, v20;
	v8 =	vadd.s32 v5, v13;
	v20 =	vld.idx.msk [tilespmem:v1+s23+$0x10 ss:$0x1], $0xffff;
	[tilespmem:v9+s20+$0x0] =	vst.idx.msk $0xffff, v15  }
0x4f: {  	v9 =	vadd.s32 v5, v7;
	v21 =	vor.u32 v17, v8;
	v6 =	vbroadcast v6, $0x0;
	v15 =	vld.idx.msk [tilespmem:v1+s23+$0x50 ss:$0x1], $0xffff  }
0x50: {  	s1 =	simm.s32 $0x4;
	v23 =	vor.u32 v14, v23;
	v32 =	vmul.f32 $8.000000000e+00, v32;
	[tilespmem:v11+s20+$0x0] =	vst.idx.msk $0xffff, v2;
	v9 =	vor.u32 v12, v9  }
0x51: {  	v22 =	vmov s1;
	v11 =	vadd.s32 v5, v18;
	v2 =	vadd.s32 v0, v6;
	v6 =	vld.idx.msk [tilespmem:v1+s23+$0x90 ss:$0x1], $0xffff  }
0x52: {  	s1 =	simm.s32 $0x5;
	v8 =	vand.u32 $0x4, v22;
	v11 =	vor.u32 v19, v11;
	v10 =	vmul.f32 $8.000000000e+00, v10  }
0x53: {  	v22 =	vand.u32 $0x78, v22;
	v24 =	vmov s1;
	s1 =	simm.s32 $0x6;
	v20 =	vmul.f32 $8.000000000e+00, v20  }
0x54: {  	v28 =	vmov s1;
	v25 =	vadd.s32 v2, v7;
	v15 =	vmul.f32 $8.000000000e+00, v15;
	[tilespmem:v21+s20+$0x0] =	vst.idx.msk $0xffff, v10  }
0x55: {  	v21 =	vadd.s32 v3, v7;
	[tilespmem:v9+s20+$0x0] =	vst.idx.msk $0xffff, v20;
	v9 =	vand.u32 $0x5, v24;
	v10 =	vand.u32 $0x78, v24  }
0x56: {  	v7 =	vand.u32 $0x6, v28;
	v20 =	vld.idx.msk [tilespmem:v1+s23+$0xE0 ss:$0x1], $0xffff;
	v29 =	vmul.f32 $8.000000000e+00, v6;
	v35 =	vadd.s32 v4, v10  }
0x57: {  	s1 =	simm.s32 $0x7;
	v30 =	vld.idx.msk [tilespmem:v1+s23+$0x20 ss:$0x1], $0xffff;
	[tilespmem:v11+s20+$0x0] =	vst.idx.msk $0xffff, v15;
	v11 =	vadd.s32 v3, v13;
	v35 =	vor.u32 v9, v35  }
0x58: {  	v6 =	vand.u32 $0x78, v28;
	v15 =	vld.idx.msk [tilespmem:v1+s23+$0x60 ss:$0x1], $0xffff;
	v28 =	vor.u32 v17, v11;
	[tilespmem:v23+s20+$0x0] =	vst.idx.msk $0xffff, v29;
	v23 =	vmov s1  }
0x59: {  	v27 =	vadd.s32 v4, v22;
	v24 =	vld.idx.msk [tilespmem:v1+s30+$0xC0 ss:$0x1], $0xffff;
	v21 =	vor.u32 v12, v21;
	v11 =	vand.u32 $0x78, v23  }
0x5a: {  	v25 =	vor.u32 v12, v25;
	v29 =	vld.idx.msk [tilespmem:v1+s30+$0x0 ss:$0x1], $0xffff;
	v12 =	vand.u32 $0x7, v23;
	v23 =	vadd.s32 v4, v11  }
0x5b: {  	v33 =	vld.idx.msk [tilespmem:v1+s30+$0x80 ss:$0x1], $0xffff;
	v27 =	vor.u32 v8, v27;
	v23 =	vor.u32 v12, v23;
	v20 =	vmul.f32 $8.000000000e+00, v20  }
0x5c: {  	v37 =	vadd.s32 v4, v6;
	v36 =	vld.idx.msk [tilespmem:v1+s23+$0xA0 ss:$0x1], $0xffff;
	v30 =	vmul.f32 $8.000000000e+00, v30;
	[tilespmem:v35+s20+$0x0] =	vst.idx.msk $0xffff, v32  }
0x5d: {  	v34 =	vadd.s32 v3, v16;
	v15 =	vmul.f32 $8.000000000e+00, v15;
	[tilespmem:v28+s20+$0x0] =	vst.idx.msk $0xffff, v20;
	v20 =	vor.u32 v7, v37  }
0x5e: {  	v24 =	vmul.f32 $8.000000000e+00, v24;
	[tilespmem:v21+s20+$0x0] =	vst.idx.msk $0xffff, v30;
	v30 =	vor.u32 v14, v34;
	v32 =	vld.idx.msk [tilespmem:v1+s30+$0x50 ss:$0x1], $0xffff  }
0x5f: {  	v13 =	vadd.s32 v2, v13;
	s1 =	simm.s32 $0x8;
	v28 =	vmul.f32 $8.000000000e+00, v29;
	v21 =	vld.idx.msk [tilespmem:v1+s23+$0xF0 ss:$0x1], $0xffff;
	[tilespmem:v31+s20+$0x0] =	vst.idx.msk $0xffff, v15  }
0x60: {  	v17 =	vor.u32 v17, v13;
	v29 =	vld.idx.msk [tilespmem:v1+s23+$0x30 ss:$0x1], $0xffff;
	v31 =	vmov s1;
	[tilespmem:v23+s20+$0x0] =	vst.idx.msk $0xffff, v24;
	v24 =	vmul.f32 $8.000000000e+00, v33  }
0x61: {  	v15 =	vand.u32 $0x4, v31;
	[tilespmem:v27+s20+$0x0] =	vst.idx.msk $0xffff, v28;
	v13 =	vand.u32 $0x78, v31;
	v31 =	vmul.f32 $8.000000000e+00, v36;
	v23 =	vld.idx.msk [tilespmem:v1+s23+$0x70 ss:$0x1], $0xffff  }
0x62: {  	v26 =	vadd.s32 v5, v22;
	v18 =	vadd.s32 v2, v18;
	v28 =	vld.idx.msk [tilespmem:v1+s30+$0x10 ss:$0x1], $0xffff;
	[tilespmem:v20+s20+$0x0] =	vst.idx.msk $0xffff, v24  }
0x63: {  	v18 =	vor.u32 v19, v18;
	v27 =	vld.idx.msk [tilespmem:v1+s30+$0xD0 ss:$0x1], $0xffff;
	v20 =	vadd.s32 v5, v11;
	[tilespmem:v30+s20+$0x0] =	vst.idx.msk $0xffff, v31  }
0x64: {  	v30 =	vor.u32 v8, v26;
	v24 =	vld.idx.msk [tilespmem:v1+s30+$0x90 ss:$0x1], $0xffff;
	v61 =	vor.u32 v12, v20;
	v20 =	vmul.f32 $8.000000000e+00, v21  }
0x65: {  	v16 =	vadd.s32 v2, v16;
	v21 =	vadd.s32 v5, v10;
	v26 =	vmul.f32 $8.000000000e+00, v29;
	v29 =	vld.idx.msk [tilespmem:v1+s23+$0xB0 ss:$0x1], $0xffff  }
0x66: {  	s1 =	simm.s32 $0x9;
	v31 =	vor.u32 v9, v21;
	v21 =	vadd.s32 v5, v6;
	v23 =	vmul.f32 $8.000000000e+00, v23;
	[tilespmem:v17+s20+$0x0] =	vst.idx.msk $0xffff, v20  }
0x67: {  	v19 =	vmov s1;
	v62 =	vor.u32 v7, v21;
	[tilespmem:v25+s20+$0x0] =	vst.idx.msk $0xffff, v26;
	v25 =	vmul.f32 $8.000000000e+00, v28  }
0x68: {  	v21 =	vadd.s32 v2, v22;
	v20 =	vor.u32 v14, v16;
	v63 =	vmul.f32 $8.000000000e+00, v27;
	[tilespmem:v18+s20+$0x0] =	vst.idx.msk $0xffff, v23  }
0x69: {  	s1 =	simm.s32 $0xA;
	v17 =	vadd.s32 v5, v13;
	v26 =	vadd.s32 v4, v13;
	v18 =	vmul.f32 $8.000000000e+00, v32;
	[tilespmem:v30+s20+$0x0] =	vst.idx.msk $0xffff, v25  }
0x6a: {  	v28 =	vmov s1;
	v16 =	vand.u32 $0x5, v19;
	[tilespmem:v61+s20+$0x0] =	vst.idx.msk $0xffff, v63;
	v30 =	vmul.f32 $8.000000000e+00, v24;
	v23 =	vld.idx.msk [tilespmem:v1+s30+$0x20 ss:$0x1], $0xffff  }
0x6b: {  	v19 =	vand.u32 $0x78, v19;
	v27 =	vadd.s32 v3, v22;
	v22 =	vmul.f32 $8.000000000e+00, v29;
	v24 =	vld.idx.msk [tilespmem:v1+s30+$0xE0 ss:$0x1], $0xffff;
	[tilespmem:v31+s20+$0x0] =	vst.idx.msk $0xffff, v18  }
0x6c: {  	s31 =	sadd.s32 $0x100, s30;
	s0 =	simm.s32 $0xC;
	s1 =	simm.s32 $0xB;
	v14 =	vand.u32 $0x6, v28;
	v18 =	vand.u32 $0x78, v28;
	v28 =	vadd.s32 v3, v11;
	v25 =	vld.idx.msk [tilespmem:v1+s30+$0x60 ss:$0x1], $0xffff;
	[tilespmem:v62+s20+$0x0] =	vst.idx.msk $0xffff, v30  }
.LBB2_3:
0x6d: {  	p0 =	slt.u32 s0, $0x7C;
	v29 =	vmov s1;
	v30 =	vld.idx.msk [tilespmem:v1+s31+$0xC0 ss:$0x1], $0xffff;
	v21 =	vor.u32 v8, v21;
	v28 =	vor.u32 v12, v28;
	[tilespmem:v20+s20+$0x0] =	vst.idx.msk $0xffff, v22  }
0x6e: {  	v27 =	vor.u32 v8, v27;
	v31 =	vadd.s32 v3, v10;
	v8 =	vmovc v15;
	v20 =	vld.idx.msk [tilespmem:v1+s31+$0x0 ss:$0x1], $0xffff;
	v22 =	vand.u32 $0x78, v29  }
0x6f: {  	v33 =	vmovc v10;
	v29 =	vand.u32 $0x7, v29;
	v31 =	vor.u32 v9, v31;
	v15 =	vld.idx.msk [tilespmem:v1+s31+$0x40 ss:$0x1], $0xffff;
	v32 =	vadd.s32 v4, v22  }
0x70: {  	v35 =	vadd.s32 v3, v6;
	v10 =	vmovc v19;
	v24 =	vmul.f32 $8.000000000e+00, v24;
	v34 =	vld.idx.msk [tilespmem:v1+s31+$0x80 ss:$0x1], $0xffff;
	v32 =	vor.u32 v29, v32  }
0x71: {  	v37 =	vmovc v6;
	v19 =	vor.u32 v8, v26;
	v26 =	vadd.s32 v4, v10;
	v23 =	vmul.f32 $8.000000000e+00, v23;
	v36 =	vld.idx.msk [tilespmem:v1+s30+$0xA0 ss:$0x1], $0xffff  }
0x72: {  	v38 =	vadd.s32 v4, v18;
	v26 =	vor.u32 v16, v26;
	v25 =	vmul.f32 $8.000000000e+00, v25;
	[tilespmem:v28+s20+$0x0] =	vst.idx.msk $0xffff, v24  }
0x73: {  	v6 =	vmov v18;
	v24 =	vor.u32 v14, v38;
	v28 =	vmul.f32 $8.000000000e+00, v30;
	[tilespmem:v27+s20+$0x0] =	vst.idx.msk $0xffff, v23;
	v23 =	vld.idx.msk [tilespmem:v1+s30+$0xF0 ss:$0x1], $0xffff  }
0x74: {  	v18 =	vmul.f32 $8.000000000e+00, v20;
	v20 =	vld.idx.msk [tilespmem:v1+s30+$0x30 ss:$0x1], $0xffff;
	[tilespmem:v31+s20+$0x0] =	vst.idx.msk $0xffff, v25;
	v25 =	vor.u32 v7, v35  }
0x75: {  	v27 =	vmov s0;
	v30 =	vmul.f32 $8.000000000e+00, v15;
	v31 =	vadd.s32 v2, v11;
	v11 =	vmovc v22;
	[tilespmem:v32+s20+$0x0] =	vst.idx.msk $0xffff, v28;
	v28 =	vld.idx.msk [tilespmem:v1+s30+$0x70 ss:$0x1], $0xffff  }
0x76: {  	v15 =	vand.u32 $0x4, v27;
	v22 =	vor.u32 v12, v31;
	[tilespmem:v19+s20+$0x0] =	vst.idx.msk $0xffff, v18;
	v18 =	vmul.f32 $8.000000000e+00, v34;
	v19 =	vld.idx.msk [tilespmem:v1+s31+$0xD0 ss:$0x1], $0xffff  }
0x77: {  	v31 =	vand.u32 $0x78, v27;
	v34 =	vadd.s32 v2, v33;
	v27 =	vld.idx.msk [tilespmem:v1+s31+$0x10 ss:$0x1], $0xffff;
	[tilespmem:v26+s20+$0x0] =	vst.idx.msk $0xffff, v30;
	v26 =	vmul.f32 $8.000000000e+00, v36  }
0x78: {  	s1 =	sadd.s32 $0x1, s0;
	v30 =	vld.idx.msk [tilespmem:v1+s31+$0x50 ss:$0x1], $0xffff;
	[tilespmem:v24+s20+$0x0] =	vst.idx.msk $0xffff, v18;
	v18 =	vadd.s32 v5, v11;
	v24 =	vor.u32 v9, v34  }
0x79: {  	v32 =	vmov s1;
	v12 =	vmovc v29;
	v23 =	vmul.f32 $8.000000000e+00, v23;
	v33 =	vld.idx.msk [tilespmem:v1+s31+$0x90 ss:$0x1], $0xffff;
	v18 =	vor.u32 v29, v18;
	[tilespmem:v25+s20+$0x0] =	vst.idx.msk $0xffff, v26  }
0x7a: {  	v9 =	vmovc v16;
	v25 =	vor.u32 v8, v17;
	v17 =	vadd.s32 v5, v10;
	v20 =	vmul.f32 $8.000000000e+00, v20;
	v29 =	vld.idx.msk [tilespmem:v1+s30+$0xB0 ss:$0x1], $0xffff;
	s30 =	smov.u32 s31  }
0x7b: {  	v16 =	vadd.s32 v5, v6;
	v34 =	vor.u32 v9, v17;
	v17 =	vmul.f32 $8.000000000e+00, v28;
	[tilespmem:v22+s20+$0x0] =	vst.idx.msk $0xffff, v23  }
0x7c: {  	v28 =	vor.u32 v14, v16;
	v16 =	vmul.f32 $8.000000000e+00, v19;
	v19 =	vadd.s32 v2, v37;
	[tilespmem:v21+s20+$0x0] =	vst.idx.msk $0xffff, v20  }
.Ltmp0:
0x7d: {  	v22 =	vmul.f32 $8.000000000e+00, v27;
	v21 =	vadd.s32 v2, v13;
	v20 =	vor.u32 v7, v19;
	[tilespmem:v24+s20+$0x0] =	vst.idx.msk $0xffff, v17;
	(pc) =	sbr.rel @p0 .LBB2_3-.Ltmp0, $4  }
0x7e: {  	s1 =	sadd.s32 $0x2, s0;
	v27 =	vadd.s32 v3, v13;
	v17 =	vadd.s32 v5, v31;
	v19 =	vmul.f32 $8.000000000e+00, v30;
	[tilespmem:v18+s20+$0x0] =	vst.idx.msk $0xffff, v16  }
0x7f: {  	v26 =	vadd.s32 v4, v31;
	v13 =	vmovc v31;
	v18 =	vmov s1;
	v30 =	vmul.f32 $8.000000000e+00, v33;
	[tilespmem:v25+s20+$0x0] =	vst.idx.msk $0xffff, v22;
	v24 =	vld.idx.msk [tilespmem:v1+s31+$0xE0 ss:$0x1], $0xffff  }
0x80: {  	v7 =	vmovc v14;
	v16 =	vand.u32 $0x5, v32;
	v22 =	vmul.f32 $8.000000000e+00, v29;
	v14 =	vand.u32 $0x6, v18;
	v23 =	vld.idx.msk [tilespmem:v1+s31+$0x20 ss:$0x1], $0xffff;
	[tilespmem:v34+s20+$0x0] =	vst.idx.msk $0xffff, v19  }
0x81: {  	s1 =	sadd.s32 $0x3, s0;
	s0 =	sadd.s32 $0x4, s0;
	v18 =	vand.u32 $0x78, v18;
	v19 =	vand.u32 $0x78, v32;
	s31 =	sadd.s32 $0x100, s31;
	v25 =	vld.idx.msk [tilespmem:v1+s30+$0x60 ss:$0x1], $0xffff;
	[tilespmem:v28+s20+$0x0] =	vst.idx.msk $0xffff, v30;
	v28 =	vadd.s32 v3, v11  }
0x82: {  	_ =	sdelay $0x3  }
0x83: {  	v32 =	vld.idx.msk [tilespmem:v1+s31+$0x0 ss:$0x1], $0xffff  }
0x84: {  	v29 =	vmov s1;
	v34 =	vld.idx.msk [tilespmem:v1+s31+$0x40 ss:$0x1], $0xffff  }
0x85: {  	v30 =	vld.idx.msk [tilespmem:v1+s31+$0xC0 ss:$0x1], $0xffff;
	v26 =	vor.u32 v15, v26;
	v36 =	vadd.s32 v4, v19;
	v31 =	vand.u32 $0x78, v29  }
0x86: {  	v35 =	vld.idx.msk [tilespmem:v1+s31+$0x80 ss:$0x1], $0xffff;
	v29 =	vand.u32 $0x7, v29;
	v36 =	vor.u32 v16, v36;
	v33 =	vadd.s32 v4, v31  }
0x87: {  	v44 =	vadd.s32 v4, v18;
	v33 =	vor.u32 v29, v33  }
0x88: {  	v4 =	vor.u32 v14, v44;
	v32 =	vmul.f32 $8.000000000e+00, v32  }
0x89: {  	v46 =	vmul.f32 $8.000000000e+00, v34  }
0x8a: {  	v28 =	vor.u32 v12, v28;
	v27 =	vor.u32 v8, v27;
	v30 =	vmul.f32 $8.000000000e+00, v30;
	[tilespmem:v26+s20+$0x0] =	vst.idx.msk $0xffff, v32  }
0x8b: {  	v47 =	vadd.s32 v3, v10;
	v48 =	vmul.f32 $8.000000000e+00, v35;
	[tilespmem:v36+s20+$0x0] =	vst.idx.msk $0xffff, v46;
	v50 =	vld.idx.msk [tilespmem:v1+s31+$0x10 ss:$0x1], $0xffff  }
0x8c: {  	v17 =	vor.u32 v15, v17;
	v53 =	vadd.s32 v5, v19;
	[tilespmem:v33+s20+$0x0] =	vst.idx.msk $0xffff, v30;
	v36 =	vld.idx.msk [tilespmem:v1+s31+$0x50 ss:$0x1], $0xffff  }
0x8d: {  	v55 =	vadd.s32 v5, v18;
	v8 =	vor.u32 v8, v21;
	[tilespmem:v4+s20+$0x0] =	vst.idx.msk $0xffff, v48;
	v49 =	vld.idx.msk [tilespmem:v1+s31+$0xD0 ss:$0x1], $0xffff  }
0x8e: {  	v62 =	vadd.s32 v3, v6;
	v54 =	vor.u32 v16, v53;
	v51 =	vadd.s32 v5, v31;
	v26 =	vld.idx.msk [tilespmem:v1+s31+$0x90 ss:$0x1], $0xffff  }
0x8f: {  	v45 =	vld.idx.msk [tilespmem:v1+s30+$0xA0 ss:$0x1], $0xffff;
	v39 =	vadd.s32 v3, v13;
	v24 =	vmul.f32 $8.000000000e+00, v24;
	v52 =	vor.u32 v29, v51  }
0x90: {  	v11 =	vadd.s32 v2, v11;
	[tilespmem:v20+s20+$0x0] =	vst.idx.msk $0xffff, v22;
	v5 =	vor.u32 v14, v55;
	v59 =	vmul.f32 $8.000000000e+00, v50  }
0x91: {  	v42 =	vadd.s32 v3, v19;
	v41 =	vor.u32 v15, v39;
	[tilespmem:v28+s20+$0x0] =	vst.idx.msk $0xffff, v24;
	v61 =	vmul.f32 $8.000000000e+00, v36  }
0x92: {  	v11 =	vor.u32 v12, v11;
	v56 =	vld.idx.msk [tilespmem:v1+s30+$0xF0 ss:$0x1], $0xffff;
	v57 =	vmul.f32 $8.000000000e+00, v49;
	[tilespmem:v17+s20+$0x0] =	vst.idx.msk $0xffff, v59  }
0x93: {  	v34 =	vor.u32 v9, v47;
	v63 =	vmul.f32 $8.000000000e+00, v26;
	[tilespmem:v54+s20+$0x0] =	vst.idx.msk $0xffff, v61;
	v37 =	vld.idx.msk [tilespmem:v1+s31+$0x20 ss:$0x1], $0xffff  }
0x94: {  	v23 =	vmul.f32 $8.000000000e+00, v23;
	v4 =	vor.u32 v7, v62;
	[tilespmem:v52+s20+$0x0] =	vst.idx.msk $0xffff, v57;
	v32 =	vld.idx.msk [tilespmem:v1+s31+$0x60 ss:$0x1], $0xffff  }
0x95: {  	v53 =	vadd.s32 v2, v6;
	v38 =	vadd.s32 v3, v31;
	[tilespmem:v5+s20+$0x0] =	vst.idx.msk $0xffff, v63;
	v36 =	vld.idx.msk [tilespmem:v1+s31+$0xE0 ss:$0x1], $0xffff  }
0x96: {  	v25 =	vmul.f32 $8.000000000e+00, v25;
	[tilespmem:v27+s20+$0x0] =	vst.idx.msk $0xffff, v23;
	v24 =	vor.u32 v16, v42;
	v43 =	vld.idx.msk [tilespmem:v1+s31+$0xA0 ss:$0x1], $0xffff  }
0x97: {  	v3 =	vadd.s32 v3, v18;
	v40 =	vor.u32 v29, v38;
	v58 =	vld.idx.msk [tilespmem:v1+s30+$0x30 ss:$0x1], $0xffff;
	v30 =	vmul.f32 $8.000000000e+00, v45  }
0x98: {  	v6 =	vor.u32 v7, v53;
	v3 =	vor.u32 v14, v3;
	[tilespmem:v34+s20+$0x0] =	vst.idx.msk $0xffff, v25;
	v47 =	vmul.f32 $8.000000000e+00, v37  }
0x99: {  	v45 =	vadd.s32 v2, v10;
	v60 =	vld.idx.msk [tilespmem:v1+s30+$0x70 ss:$0x1], $0xffff;
	[tilespmem:v4+s20+$0x0] =	vst.idx.msk $0xffff, v30;
	v51 =	vmul.f32 $8.000000000e+00, v32  }
0x9a: {  	v48 =	vor.u32 v9, v45;
	v50 =	vld.idx.msk [tilespmem:v1+s30+$0xB0 ss:$0x1], $0xffff;
	v44 =	vmul.f32 $8.000000000e+00, v36;
	[tilespmem:v41+s20+$0x0] =	vst.idx.msk $0xffff, v47  }
0x9b: {  	v46 =	vmul.f32 $8.000000000e+00, v56;
	v56 =	vadd.s32 v2, v31;
	v54 =	vmul.f32 $8.000000000e+00, v43;
	[tilespmem:v24+s20+$0x0] =	vst.idx.msk $0xffff, v51;
	v55 =	vld.idx.msk [tilespmem:v1+s31+$0x30 ss:$0x1], $0xffff  }
0x9c: {  	v49 =	vmul.f32 $8.000000000e+00, v58;
	v57 =	vadd.s32 v2, v13;
	[tilespmem:v40+s20+$0x0] =	vst.idx.msk $0xffff, v44;
	v58 =	vld.idx.msk [tilespmem:v1+s31+$0x70 ss:$0x1], $0xffff  }
0x9d: {  	v59 =	vadd.s32 v2, v19;
	[tilespmem:v3+s20+$0x0] =	vst.idx.msk $0xffff, v54;
	v3 =	vor.u32 v15, v57;
	v12 =	vld.idx.msk [tilespmem:v1+s31+$0xF0 ss:$0x1], $0xffff  }
0x9e: {  	[tilespmem:v11+s20+$0x0] =	vst.idx.msk $0xffff, v46;
	v52 =	vmul.f32 $8.000000000e+00, v60;
	v4 =	vor.u32 v16, v59;
	v1 =	vld.idx.msk [tilespmem:v1+s31+$0xB0 ss:$0x1], $0xffff  }
0x9f: {  	v20 =	vor.u32 v29, v56;
	[tilespmem:v8+s20+$0x0] =	vst.idx.msk $0xffff, v49;
	v2 =	vadd.s32 v2, v18;
	v60 =	vmul.f32 $8.000000000e+00, v50  }
0xa0: {  	v2 =	vor.u32 v14, v2;
	[tilespmem:v48+s20+$0x0] =	vst.idx.msk $0xffff, v52;
	v62 =	vmul.f32 $8.000000000e+00, v55  }
0xa1: {  	[tilespmem:v6+s20+$0x0] =	vst.idx.msk $0xffff, v60;
	v63 =	vmul.f32 $8.000000000e+00, v58  }
0xa2: {  	s0 =	smul.u32 $0x8800, s29;
	v61 =	vmul.f32 $8.000000000e+00, v12;
	[tilespmem:v3+s20+$0x0] =	vst.idx.msk $0xffff, v62  }
0xa3: {  	s30 =	sshll.u32 s24, $0xF;
	v1 =	vmul.f32 $8.000000000e+00, v1;
	[tilespmem:v4+s20+$0x0] =	vst.idx.msk $0xffff, v63  }
0xa4: {  	s29 =	sshrl.u32 s0, $0x2;
	s30 =	sor.u32 s6, s30;
	[tilespmem:v20+s20+$0x0] =	vst.idx.msk $0xffff, v61  }
0xa5: {  	s0 =	sadd.s32 s2, s30;
	s31 =	sadd.s32 $0xC400, s29;
	[tilespmem:v2+s20+$0x0] =	vst.idx.msk $0xffff, v1  }
0xa6: {  	[hbm4b:s0+s3] =	stream.linear.scatter [tilespmem:s31], [sflag:$0x2], $0x80, $0x38;
	[tilespmem:$0x12A00] =	vst v63  }
0xa7: {  	s1 =	sadd.s32 $0xC488, s29;
	s31 =	sadd.s32 $0x10, s0  }
0xa8: {  	[hbm4b:s31+s3] =	stream.linear.scatter [tilespmem:s1], [sflag:$0x2], $0x80, $0x38;
	[tilespmem:$0x12A00] =	vst v63  }
0xa9: {  	s1 =	sadd.s32 $0xC510, s29;
	s31 =	sadd.s32 $0x20, s0  }
0xaa: {  	[hbm4b:s31+s3] =	stream.linear.scatter [tilespmem:s1], [sflag:$0x2], $0x80, $0x38;
	[tilespmem:$0x12A00] =	vst v63  }
0xab: {  	s1 =	sadd.s32 $0xC598, s29;
	s31 =	sadd.s32 $0x30, s0  }
0xac: {  	[hbm4b:s31+s3] =	stream.linear.scatter [tilespmem:s1], [sflag:$0x2], $0x80, $0x38;
	[tilespmem:$0x12A00] =	vst v63  }
0xad: {  	s1 =	sadd.s32 $0xC620, s29;
	s31 =	sadd.s32 $0x40, s0  }
0xae: {  	[hbm4b:s31+s3] =	stream.linear.scatter [tilespmem:s1], [sflag:$0x2], $0x80, $0x38;
	[tilespmem:$0x12A00] =	vst v63  }
0xaf: {  	s1 =	sadd.s32 $0xC6A8, s29;
	s31 =	sadd.s32 $0x50, s0  }
0xb0: {  	[hbm4b:s31+s3] =	stream.linear.scatter [tilespmem:s1], [sflag:$0x2], $0x80, $0x38;
	[tilespmem:$0x12A00] =	vst v63  }
0xb1: {  	s1 =	sadd.s32 $0xC730, s29;
	s31 =	sadd.s32 $0x60, s0  }
0xb2: {  	[hbm4b:s31+s3] =	stream.linear.scatter [tilespmem:s1], [sflag:$0x2], $0x80, $0x38;
	[tilespmem:$0x12A00] =	vst v63  }
0xb3: {  	s0 =	sadd.s32 $0x70, s0;
	s31 =	sadd.s32 $0xC7B8, s29  }
0xb4: {  	[hbm4b:s0+s3] =	stream.linear.scatter [tilespmem:s31], [sflag:$0x2], $0x80, $0x38;
	[tilespmem:$0x12A00] =	vst v63  }
0xb5: {  	s0 =	sadd.s32 s30, s7;
	s31 =	sadd.s32 $0xC840, s29  }
0xb6: {  	[hbm4b:s0+s3] =	stream.linear.scatter [tilespmem:s31], [sflag:$0x2], $0x80, $0x38;
	[tilespmem:$0x12A00] =	vst v63  }
0xb7: {  	s1 =	sadd.s32 $0xC8C8, s29;
	s31 =	sadd.s32 $0x10, s0  }
0xb8: {  	[hbm4b:s31+s3] =	stream.linear.scatter [tilespmem:s1], [sflag:$0x2], $0x80, $0x38;
	[tilespmem:$0x12A00] =	vst v63  }
0xb9: {  	s1 =	sadd.s32 $0xC950, s29;
	s31 =	sadd.s32 $0x20, s0  }
0xba: {  	[hbm4b:s31+s3] =	stream.linear.scatter [tilespmem:s1], [sflag:$0x2], $0x80, $0x38;
	[tilespmem:$0x12A00] =	vst v63  }
0xbb: {  	s1 =	sadd.s32 $0xC9D8, s29;
	s31 =	sadd.s32 $0x30, s0  }
0xbc: {  	[hbm4b:s31+s3] =	stream.linear.scatter [tilespmem:s1], [sflag:$0x2], $0x80, $0x38;
	[tilespmem:$0x12A00] =	vst v63  }
0xbd: {  	s1 =	sadd.s32 $0xCA60, s29;
	s31 =	sadd.s32 $0x40, s0  }
0xbe: {  	[hbm4b:s31+s3] =	stream.linear.scatter [tilespmem:s1], [sflag:$0x2], $0x80, $0x38;
	[tilespmem:$0x12A00] =	vst v63  }
0xbf: {  	s1 =	sadd.s32 $0xCAE8, s29;
	s31 =	sadd.s32 $0x50, s0  }
0xc0: {  	[hbm4b:s31+s3] =	stream.linear.scatter [tilespmem:s1], [sflag:$0x2], $0x80, $0x38;
	[tilespmem:$0x12A00] =	vst v63  }
0xc1: {  	s1 =	sadd.s32 $0xCB70, s29;
	s31 =	sadd.s32 $0x60, s0  }
0xc2: {  	[hbm4b:s31+s3] =	stream.linear.scatter [tilespmem:s1], [sflag:$0x2], $0x80, $0x38;
	[tilespmem:$0x12A00] =	vst v63  }
0xc3: {  	s28 =	smul.u32 $0x220, s28;
	s0 =	sadd.s32 $0x70, s0;
	s31 =	sadd.s32 $0xCBF8, s29  }
0xc4: {  	[hbm4b:s0+s3] =	stream.linear.scatter [tilespmem:s31], [sflag:$0x2], $0x80, $0x38;
	[tilespmem:$0x12A00] =	vst v63  }
0xc5: {  	s0 =	sshrl.u32 s28, $0x2  }
0xc6: {  	s1 =	sadd.s32 s30, s8;
	s28 =	sadd.s32 $0xC400, s0  }
0xc7: {  	[hbm4b:s1+s3] =	stream.linear.scatter [tilespmem:s28], [sflag:$0x2], $0x80, $0x38;
	[tilespmem:$0x12A00] =	vst v63  }
0xc8: {  	s31 =	sadd.s32 $0x10, s1;
	s28 =	sadd.s32 $0xC488, s0  }
0xc9: {  	[hbm4b:s31+s3] =	stream.linear.scatter [tilespmem:s28], [sflag:$0x2], $0x80, $0x38;
	[tilespmem:$0x12A00] =	vst v63  }
0xca: {  	s28 =	sadd.s32 $0xC510, s0;
	s31 =	sadd.s32 $0x20, s1  }
0xcb: {  	[hbm4b:s31+s3] =	stream.linear.scatter [tilespmem:s28], [sflag:$0x2], $0x80, $0x38;
	[tilespmem:$0x12A00] =	vst v63  }
0xcc: {  	s28 =	sadd.s32 $0xC598, s0;
	s31 =	sadd.s32 $0x30, s1  }
0xcd: {  	[hbm4b:s31+s3] =	stream.linear.scatter [tilespmem:s28], [sflag:$0x2], $0x80, $0x38;
	[tilespmem:$0x12A00] =	vst v63  }
0xce: {  	s28 =	sadd.s32 $0xC620, s0;
	s31 =	sadd.s32 $0x40, s1  }
0xcf: {  	[hbm4b:s31+s3] =	stream.linear.scatter [tilespmem:s28], [sflag:$0x2], $0x80, $0x38;
	[tilespmem:$0x12A00] =	vst v63  }
0xd0: {  	s28 =	sadd.s32 $0xC6A8, s0;
	s31 =	sadd.s32 $0x50, s1  }
0xd1: {  	[hbm4b:s31+s3] =	stream.linear.scatter [tilespmem:s28], [sflag:$0x2], $0x80, $0x38;
	[tilespmem:$0x12A00] =	vst v63  }
0xd2: {  	s28 =	sadd.s32 $0xC730, s0;
	s31 =	sadd.s32 $0x60, s1  }
0xd3: {  	[hbm4b:s31+s3] =	stream.linear.scatter [tilespmem:s28], [sflag:$0x2], $0x80, $0x38;
	[tilespmem:$0x12A00] =	vst v63  }
0xd4: {  	s0 =	sadd.s32 $0xC7B8, s0;
	s1 =	sadd.s32 $0x70, s1  }
0xd5: {  	[hbm4b:s1+s3] =	stream.linear.scatter [tilespmem:s0], [sflag:$0x2], $0x80, $0x38;
	[tilespmem:$0x12A00] =	vst v63  }
0xd6: {  	s28 =	sadd.s32 $0xD0C0, s29;
	s0 =	sadd.s32 s30, s9  }
0xd7: {  	[hbm4b:s0+s3] =	stream.linear.scatter [tilespmem:s28], [sflag:$0x2], $0x80, $0x38;
	[tilespmem:$0x12A00] =	vst v63  }
0xd8: {  	s1 =	sadd.s32 $0xD148, s29;
	s31 =	sadd.s32 $0x10, s0  }
0xd9: {  	[hbm4b:s31+s3] =	stream.linear.scatter [tilespmem:s1], [sflag:$0x2], $0x80, $0x38;
	[tilespmem:$0x12A00] =	vst v63  }
0xda: {  	s1 =	sadd.s32 $0xD1D0, s29;
	s31 =	sadd.s32 $0x20, s0  }
0xdb: {  	[hbm4b:s31+s3] =	stream.linear.scatter [tilespmem:s1], [sflag:$0x2], $0x80, $0x38;
	[tilespmem:$0x12A00] =	vst v63  }
0xdc: {  	s1 =	sadd.s32 $0xD258, s29;
	s31 =	sadd.s32 $0x30, s0  }
0xdd: {  	[hbm4b:s31+s3] =	stream.linear.scatter [tilespmem:s1], [sflag:$0x2], $0x80, $0x38;
	[tilespmem:$0x12A00] =	vst v63  }
0xde: {  	s1 =	sadd.s32 $0xD2E0, s29;
	s31 =	sadd.s32 $0x40, s0  }
0xdf: {  	[hbm4b:s31+s3] =	stream.linear.scatter [tilespmem:s1], [sflag:$0x2], $0x80, $0x38;
	[tilespmem:$0x12A00] =	vst v63  }
0xe0: {  	s1 =	sadd.s32 $0xD368, s29;
	s31 =	sadd.s32 $0x50, s0  }
0xe1: {  	[hbm4b:s31+s3] =	stream.linear.scatter [tilespmem:s1], [sflag:$0x2], $0x80, $0x38;
	[tilespmem:$0x12A00] =	vst v63  }
0xe2: {  	s1 =	sadd.s32 $0xD3F0, s29;
	s31 =	sadd.s32 $0x60, s0  }
0xe3: {  	[hbm4b:s31+s3] =	stream.linear.scatter [tilespmem:s1], [sflag:$0x2], $0x80, $0x38;
	[tilespmem:$0x12A00] =	vst v63  }
0xe4: {  	s26 =	smul.u32 $0x220, s26;
	s28 =	sadd.s32 $0xD478, s29;
	s0 =	sadd.s32 $0x70, s0  }
0xe5: {  	[hbm4b:s0+s3] =	stream.linear.scatter [tilespmem:s28], [sflag:$0x2], $0x80, $0x38;
	[tilespmem:$0x12A00] =	vst v63  }
0xe6: {  	s0 =	sshrl.u32 s26, $0x2  }
0xe7: {  	s1 =	sadd.s32 s30, s10;
	s26 =	sadd.s32 $0xC400, s0  }
0xe8: {  	[hbm4b:s1+s3] =	stream.linear.scatter [tilespmem:s26], [sflag:$0x2], $0x80, $0x38;
	[tilespmem:$0x12A00] =	vst v63  }
0xe9: {  	s31 =	sadd.s32 $0x10, s1;
	s26 =	sadd.s32 $0xC488, s0  }
0xea: {  	[hbm4b:s31+s3] =	stream.linear.scatter [tilespmem:s26], [sflag:$0x2], $0x80, $0x38;
	[tilespmem:$0x12A00] =	vst v63  }
0xeb: {  	s26 =	sadd.s32 $0xC510, s0;
	s31 =	sadd.s32 $0x20, s1  }
0xec: {  	[hbm4b:s31+s3] =	stream.linear.scatter [tilespmem:s26], [sflag:$0x2], $0x80, $0x38;
	[tilespmem:$0x12A00] =	vst v63  }
0xed: {  	s26 =	sadd.s32 $0xC598, s0;
	s31 =	sadd.s32 $0x30, s1  }
0xee: {  	[hbm4b:s31+s3] =	stream.linear.scatter [tilespmem:s26], [sflag:$0x2], $0x80, $0x38;
	[tilespmem:$0x12A00] =	vst v63  }
0xef: {  	s26 =	sadd.s32 $0xC620, s0;
	s31 =	sadd.s32 $0x40, s1  }
0xf0: {  	[hbm4b:s31+s3] =	stream.linear.scatter [tilespmem:s26], [sflag:$0x2], $0x80, $0x38;
	[tilespmem:$0x12A00] =	vst v63  }
0xf1: {  	s26 =	sadd.s32 $0xC6A8, s0;
	s31 =	sadd.s32 $0x50, s1  }
0xf2: {  	[hbm4b:s31+s3] =	stream.linear.scatter [tilespmem:s26], [sflag:$0x2], $0x80, $0x38;
	[tilespmem:$0x12A00] =	vst v63  }
0xf3: {  	s26 =	sadd.s32 $0xC730, s0;
	s31 =	sadd.s32 $0x60, s1  }
0xf4: {  	[hbm4b:s31+s3] =	stream.linear.scatter [tilespmem:s26], [sflag:$0x2], $0x80, $0x38;
	[tilespmem:$0x12A00] =	vst v63  }
0xf5: {  	s0 =	sadd.s32 $0xC7B8, s0;
	s1 =	sadd.s32 $0x70, s1  }
0xf6: {  	[hbm4b:s1+s3] =	stream.linear.scatter [tilespmem:s0], [sflag:$0x2], $0x80, $0x38;
	[tilespmem:$0x12A00] =	vst v63  }
0xf7: {  	s26 =	sadd.s32 $0xD940, s29;
	s0 =	sadd.s32 s30, s11  }
0xf8: {  	[hbm4b:s0+s3] =	stream.linear.scatter [tilespmem:s26], [sflag:$0x2], $0x80, $0x38;
	[tilespmem:$0x12A00] =	vst v63  }
0xf9: {  	s28 =	sadd.s32 $0xD9C8, s29;
	s31 =	sadd.s32 $0x10, s0  }
0xfa: {  	[hbm4b:s31+s3] =	stream.linear.scatter [tilespmem:s28], [sflag:$0x2], $0x80, $0x38;
	[tilespmem:$0x12A00] =	vst v63  }
0xfb: {  	s28 =	sadd.s32 $0xDA50, s29;
	s31 =	sadd.s32 $0x20, s0  }
0xfc: {  	[hbm4b:s31+s3] =	stream.linear.scatter [tilespmem:s28], [sflag:$0x2], $0x80, $0x38;
	[tilespmem:$0x12A00] =	vst v63  }
0xfd: {  	s28 =	sadd.s32 $0xDAD8, s29;
	s31 =	sadd.s32 $0x30, s0  }
0xfe: {  	[hbm4b:s31+s3] =	stream.linear.scatter [tilespmem:s28], [sflag:$0x2], $0x80, $0x38;
	[tilespmem:$0x12A00] =	vst v63  }
0xff: {  	s28 =	sadd.s32 $0xDB60, s29;
	s31 =	sadd.s32 $0x40, s0  }
0x100: {  	[hbm4b:s31+s3] =	stream.linear.scatter [tilespmem:s28], [sflag:$0x2], $0x80, $0x38;
	[tilespmem:$0x12A00] =	vst v63  }
0x101: {  	s28 =	sadd.s32 $0xDBE8, s29;
	s31 =	sadd.s32 $0x50, s0  }
0x102: {  	[hbm4b:s31+s3] =	stream.linear.scatter [tilespmem:s28], [sflag:$0x2], $0x80, $0x38;
	[tilespmem:$0x12A00] =	vst v63  }
0x103: {  	s28 =	sadd.s32 $0xDC70, s29;
	s31 =	sadd.s32 $0x60, s0  }
0x104: {  	[hbm4b:s31+s3] =	stream.linear.scatter [tilespmem:s28], [sflag:$0x2], $0x80, $0x38;
	[tilespmem:$0x12A00] =	vst v63  }
0x105: {  	s25 =	smul.u32 $0x220, s25;
	s26 =	sadd.s32 $0xDCF8, s29;
	s0 =	sadd.s32 $0x70, s0  }
0x106: {  	[hbm4b:s0+s3] =	stream.linear.scatter [tilespmem:s26], [sflag:$0x2], $0x80, $0x38;
	[tilespmem:$0x12A00] =	vst v63  }
0x107: {  	s0 =	sshrl.u32 s25, $0x2  }
0x108: {  	s1 =	sadd.s32 s30, s12;
	s25 =	sadd.s32 $0xC400, s0  }
0x109: {  	[hbm4b:s1+s3] =	stream.linear.scatter [tilespmem:s25], [sflag:$0x2], $0x80, $0x38;
	[tilespmem:$0x12A00] =	vst v63  }
0x10a: {  	s31 =	sadd.s32 $0x10, s1;
	s28 =	sadd.s32 $0xC488, s0  }
0x10b: {  	[hbm4b:s31+s3] =	stream.linear.scatter [tilespmem:s28], [sflag:$0x2], $0x80, $0x38;
	[tilespmem:$0x12A00] =	vst v63  }
0x10c: {  	s28 =	sadd.s32 $0xC510, s0;
	s31 =	sadd.s32 $0x20, s1  }
0x10d: {  	[hbm4b:s31+s3] =	stream.linear.scatter [tilespmem:s28], [sflag:$0x2], $0x80, $0x38;
	[tilespmem:$0x12A00] =	vst v63  }
0x10e: {  	s28 =	sadd.s32 $0xC598, s0;
	s31 =	sadd.s32 $0x30, s1  }
0x10f: {  	[hbm4b:s31+s3] =	stream.linear.scatter [tilespmem:s28], [sflag:$0x2], $0x80, $0x38;
	[tilespmem:$0x12A00] =	vst v63  }
0x110: {  	s28 =	sadd.s32 $0xC620, s0;
	s31 =	sadd.s32 $0x40, s1  }
0x111: {  	[hbm4b:s31+s3] =	stream.linear.scatter [tilespmem:s28], [sflag:$0x2], $0x80, $0x38;
	[tilespmem:$0x12A00] =	vst v63  }
0x112: {  	s28 =	sadd.s32 $0xC6A8, s0;
	s31 =	sadd.s32 $0x50, s1  }
0x113: {  	[hbm4b:s31+s3] =	stream.linear.scatter [tilespmem:s28], [sflag:$0x2], $0x80, $0x38;
	[tilespmem:$0x12A00] =	vst v63  }
0x114: {  	s28 =	sadd.s32 $0xC730, s0;
	s31 =	sadd.s32 $0x60, s1  }
0x115: {  	[hbm4b:s31+s3] =	stream.linear.scatter [tilespmem:s28], [sflag:$0x2], $0x80, $0x38;
	[tilespmem:$0x12A00] =	vst v63  }
0x116: {  	s0 =	sadd.s32 $0xC7B8, s0;
	s1 =	sadd.s32 $0x70, s1  }
0x117: {  	[hbm4b:s1+s3] =	stream.linear.scatter [tilespmem:s0], [sflag:$0x2], $0x80, $0x38;
	[tilespmem:$0x12A00] =	vst v63  }
0x118: {  	s25 =	sadd.s32 $0xE1C0, s29;
	s0 =	sadd.s32 s30, s13  }
0x119: {  	[hbm4b:s0+s3] =	stream.linear.scatter [tilespmem:s25], [sflag:$0x2], $0x80, $0x38;
	[tilespmem:$0x12A00] =	vst v63  }
0x11a: {  	s26 =	sadd.s32 $0xE248, s29;
	s28 =	sadd.s32 $0x10, s0  }
0x11b: {  	[hbm4b:s28+s3] =	stream.linear.scatter [tilespmem:s26], [sflag:$0x2], $0x80, $0x38;
	[tilespmem:$0x12A00] =	vst v63  }
0x11c: {  	s30 =	sadd.s32 $0xE2D0, s29;
	s31 =	sadd.s32 $0x20, s0  }
0x11d: {  	[hbm4b:s31+s3] =	stream.linear.scatter [tilespmem:s30], [sflag:$0x2], $0x80, $0x38;
	[tilespmem:$0x12A00] =	vst v63  }
0x11e: {  	s26 =	sadd.s32 $0xE358, s29;
	s28 =	sadd.s32 $0x30, s0  }
0x11f: {  	[hbm4b:s28+s3] =	stream.linear.scatter [tilespmem:s26], [sflag:$0x2], $0x80, $0x38;
	[tilespmem:$0x12A00] =	vst v63  }
0x120: {  	s24 =	sadd.s32 $0x1, s24;
	s30 =	sadd.s32 $0xE3E0, s29;
	s31 =	sadd.s32 $0x40, s0  }
0x121: {  	[hbm4b:s31+s3] =	stream.linear.scatter [tilespmem:s30], [sflag:$0x2], $0x80, $0x38;
	[tilespmem:$0x12A00] =	vst v63  }
0x122: {  	p0 =	sne.s32 s24, $0xC8;
	s25 =	sadd.s32 $0xE468, s29;
	s26 =	sadd.s32 $0x50, s0  }
0x123: {  	[hbm4b:s26+s3] =	stream.linear.scatter [tilespmem:s25], [sflag:$0x2], $0x80, $0x38;
	[tilespmem:$0x12A00] =	vst v63  }
.Ltmp1:
0x124: {  	_ = 	snop;
	(pc) =	sbr.rel @p0 .LBB2_2-.Ltmp1, $4  }
0x125: {  	s28 =	sadd.s32 $0xE4F0, s29;
	s30 =	sadd.s32 $0x60, s0  }
0x126: {  	[hbm4b:s30+s3] =	stream.linear.scatter [tilespmem:s28], [sflag:$0x2], $0x80, $0x38;
	[tilespmem:$0x12A00] =	vst v63  }
0x127: {  	s23 =	sadd.s32 $0x2000, s23;
	s31 =	sadd.s32 $0xE578, s29;
	s0 =	sadd.s32 $0x70, s0  }
0x128: {  	[hbm4b:s0+s3] =	stream.linear.scatter [tilespmem:s31], [sflag:$0x2], $0x80, $0x38;
	[tilespmem:$0x12A00] =	vst v63  }
0x129: {  	_ =	swait.ge [sflag:s21], $0x400  }
0x12a: {  	[sflag:s21] =	ssyncset.done $0x0  }
0x12b: {  	[sflag:s21] =	ssyncadd.s32 $0xFFFFFC00  }
0x12c: {  	_ =	swait.ge [sflag:s21], $0x400  }
0x12d: {  	[sflag:s21] =	ssyncset.done $0x0  }
0x12e: {  	[sflag:s21] =	ssyncadd.s32 $0xFFFFFC00  }
0x12f: {  	_ =	swait.ge [sflag:s21], $0x400  }
0x130: {  	[sflag:s21] =	ssyncset.done $0x0  }
0x131: {  	[sflag:s21] =	ssyncadd.s32 $0xFFFFFC00  }
0x132: {  	_ =	swait.ge [sflag:s21], $0x400  }
0x133: {  	[sflag:s21] =	ssyncset.done $0x0  }
0x134: {  	[sflag:s21] =	ssyncadd.s32 $0xFFFFFC00  }
0x135: {  	_ =	swait.ge [sflag:s21], $0x400  }
0x136: {  	[sflag:s21] =	ssyncset.done $0x0  }
0x137: {  	[sflag:s21] =	ssyncadd.s32 $0xFFFFFC00  }
0x138: {  	_ =	swait.ge [sflag:s21], $0x400  }
0x139: {  	[sflag:s21] =	ssyncset.done $0x0  }
0x13a: {  	[sflag:s21] =	ssyncadd.s32 $0xFFFFFC00  }
0x13b: {  	_ =	swait.ge [sflag:s21], $0x400  }
0x13c: {  	[sflag:s21] =	ssyncset.done $0x0  }
0x13d: {  	[sflag:s21] =	ssyncadd.s32 $0xFFFFFC00  }
0x13e: {  	_ =	swait.ge [sflag:s21], $0x400  }
0x13f: {  	[sflag:s21] =	ssyncset.done $0x0  }
0x140: {  	[sflag:s21] =	ssyncadd.s32 $0xFFFFFC00  }
0x141: {  	_ =	swait.ge [sflag:s21], $0x400  }
0x142: {  	[sflag:s21] =	ssyncset.done $0x0  }
0x143: {  	[sflag:s21] =	ssyncadd.s32 $0xFFFFFC00  }
0x144: {  	_ =	swait.ge [sflag:s21], $0x400  }
0x145: {  	[sflag:s21] =	ssyncset.done $0x0  }
0x146: {  	[sflag:s21] =	ssyncadd.s32 $0xFFFFFC00  }
0x147: {  	_ =	swait.ge [sflag:s21], $0x400  }
0x148: {  	[sflag:s21] =	ssyncset.done $0x0  }
0x149: {  	[sflag:s21] =	ssyncadd.s32 $0xFFFFFC00  }
0x14a: {  	_ =	swait.ge [sflag:s21], $0x400  }
0x14b: {  	[sflag:s21] =	ssyncset.done $0x0  }
0x14c: {  	[sflag:s21] =	ssyncadd.s32 $0xFFFFFC00  }
0x14d: {  	_ =	swait.ge [sflag:s21], $0x400  }
0x14e: {  	[sflag:s21] =	ssyncset.done $0x0  }
0x14f: {  	[sflag:s21] =	ssyncadd.s32 $0xFFFFFC00  }
0x150: {  	_ =	swait.ge [sflag:s21], $0x400  }
0x151: {  	[sflag:s21] =	ssyncset.done $0x0  }
0x152: {  	s22 =	sadd.s32 $0x1, s22;
	[sflag:s21] =	ssyncadd.s32 $0xFFFFFC00  }
0x153: {  	p0 =	sne.s32 s22, s14;
	_ =	swait.ge [sflag:s21], $0x400  }
.Ltmp2:
0x154: {  	[sflag:s21] =	ssyncset.done $0x0;
	(pc) =	sbr.rel @p0 .LBB2_1-.Ltmp2, $4  }
0x155: {  	[sflag:s21] =	ssyncadd.s32 $0xFFFFFC00  }
0x156: {  	_ =	swait.ge [sflag:s21], $0x400  }
0x157: {  	[sflag:s21] =	ssyncset.done $0x0  }
0x158: {  	[sflag:s21] =	ssyncadd.s32 $0xFFFFFC00  }
0x159: {  	_ =	sfence.sel $0x180000  }
0x15a: {  	[bflag:$0x0] =	sbarrier.arrive $0xFFFF  }
0x15b: {  	_ =	strace $0x9000004A  }
0x15c: {  	s0 =	stileid.u32;
	[bflag:$0x2] =	sbarrier.arrive $0xFFFF  }
0x15d: {  	p0 =	sne.s32 s0, $0x0;
	s0 =	rddreg [dreg:$0x2]  }
0x15e: {  	s0 =	sadd.s32 @!p0 $0x100000, s0  }
0x15f: {  	[sflag:s0] =	ssyncadd.tile.s32 @!p0 $0x1;
	_ =	shalt  }
.Lfunc_end2:
_tile_overlayer_lowered:
.L_overlay_start_2:
0x160: {  	(tag) =	ssettag $0x2  }
0x161: {  	s0 =	rddreg [dreg:$0x0];
	s2 =	stileid.u32  }
0x162: {  	s1 =	rddreg [dreg:$0x1];
	p0 =	sne.s32 s2, $0x0  }
0x163: {  	s3 =	rddreg [dreg:$0x2];
	[bflag:$0x3] =	sbarrier.arrive $0xFFFF;
	s2 =	simm.s32 @!p0 $0x1C03  }
0x164: {  	[timem:s3], [sflag:s2] =	dma.local @!p0 [hbm:s0], s1  }
0x165: {  	s0 =	simm.s32 @!p0 $0x3  }
0x166: {  	_ =	swait.ge @!p0 [sflag:s0], s1  }
0x167: {  	s1 =	ssub.s32 @!p0 $0x0, s1;
	[sflag:s0] =	ssyncset.done @!p0 $0x0  }
0x168: {  	[sflag:s0] =	ssyncadd.s32 @!p0 s1  }
0x169: {  	[bflag:$0x3] =	sbarrier.arrive $0xFFFF  }
0x16a: {  	_ =	shalt  }

// kernel: sparse-core-data-format-call.cloned.1.call-start
scs
called_computation_lowered:
.L_overlay_start_0:
0x0: {  	s2 =	sld [smem:$0x3FD9]  }
0x1: {  	s3 =	sld [smem:$0x3FFE];
	_ =	sdelay $0x1  }
0x2: {  	s1 =	srdreg.scid  }
0x3: {  	s0 =	sand.u32 $0x1, s1  }
0x4: {  	s18 =	sshll.u32 s0, $0xA;
	s2 =	sadd.s32 s3, s2  }
0x5: {  	s2 =	sadd.s32 s2, s18  }
0x6: {  	[smem:$0x3FC6] =	sst s2  }
0x7: {  	_ = 	snop  }
0x8: {  	s2 =	sld [smem:$0x3FC8];
	(tm) =	ssettm $0x1  }
0x9: {  	s19 =	sld [smem:$0x3FFB];
	_ =	sdelay $0x3  }
0xa: {  	_ =	strace s19  }
0xb: {  	s3 =	sld [smem:$0x3FFC];
	_ =	sdelay $0x3  }
0xc: {  	_ =	strace s3  }
0xd: {  	s3 =	sld [smem:$0x3FFD];
	_ =	sdelay $0x3  }
0xe: {  	_ =	strace s3  }
0xf: {  	_ =	strace $0x8FFFFFFF  }
0x10: {  	s20 =	sld [smem:$0x3FDB];
	_ =	sdelay $0x1  }
0x11: {  	s4 =	simm.s32 $_scs_section_size  }
0x12: {  	s5 =	simm.s32 $_size__tile_overlayer_lowered;
	s6 =	simm.s32 $_tile_overlayer_lowered  }
0x13: {  	s23 =	simm.s32 $0x1BFF;
	s22 =	sshll.u32 s6, $0x1;
	s3 =	sadd.s32 s4, s20  }
0x14: {  	s7 =	simm.s32 $0x0;
	s21 =	sshll.u32 s5, $0x1;
	s5 =	sadd.s32 s22, s3  }
0x15: {  	[timem:s7], [sflag:s23] =	dma.local [hbm:s5], s21  }
0x16: {  	_ =	swait.ge [sflag:s23], s21  }
0x17: {  	s4 =	ssub.s32 $0x0, s21;
	[sflag:s23] =	ssyncset.done $0x0  }
0x18: {  	[sflag:s23] =	ssyncadd.s32 s4;
	_ =	sdelay $0x1  }
0x19: {  	s24 =	simm.s32 $0x1B8B  }
0x1a: {  	_ =	swait.ge [sflag:s24], $0x1  }
0x1b: {  	[sflag:s24] =	ssyncset.done $0x0  }
0x1c: {  	s26 =	simm.s32 $0x1B8E;
	s25 =	sld [smem:$0x3FFE];
	[sflag:s24] =	ssyncadd.s32 $0xFFFFFFFF  }
0x1d: {  	s27 =	simm.s32 $execute0_lowered;
	[smem:$0x3FD2] =	sst s26  }
0x1e: {  	s5 =	sshll.u32 s27, $0x1;
	_ =	strace $0x80000046;
	[dreg:$0x1] =	wrdreg $0xFFFFFFFF  }
0x1f: {  	s28 =	simm.s32 $_size_execute0_lowered;
	s3 =	sadd.s32 s3, s5;
	[dreg:$0x0] =	wrdreg $0x0  }
0x20: {  	s5 =	sshll.u32 s28, $0x1;
	[dreg:$0x2] =	wrdreg s3  }
0x21: {  	[dreg:$0x3] =	wrdreg s5  }
0x22: {  	[dreg:$0x4] =	wrdreg $0xC0  }
0x23: {  	_ =	task [dreg:s7], $0x5FFFF  }
0x24: {  	[dreg:$0x1] =	wrdreg $0xFFFFFFFF  }
0x25: {  	[dreg:$0x0] =	wrdreg $0x60  }
0x26: {  	[dreg:$0x2] =	wrdreg s2  }
0x27: {  	[dreg:$0x3] =	wrdreg s25  }
0x28: {  	[dreg:$0x4] =	wrdreg $0x9  }
0x29: {  	_ =	task.clear_ibuf [dreg:s7], $0x5FFFF;
	_ =	strace $0x90000046  }
0x2a: {  	s29 =	simm.s32 $0x9;
	_ =	strace $0x80000048  }
0x2b: {  	_ =	swait.ge [sflag:s29], $0x1  }
0x2c: {  	[sflag:s29] =	ssyncadd.s32 $0xFFFFFFFF  }
0x2d: {  	_ =	strace $0x90000048  }
0x2e: {  	_ =	sfence  }
0x2f: {  	s30 =	sld [smem:$0x0];
	_ =	sdelay $0x2  }
0x30: {  	s31 =	sshll.u32 s1, $0xD;
	s1 =	sshrl.u32 s1, $0x2  }
0x31: {  	s3 =	sand.u32 $0x4000, s31;
	s1 =	sadd.s32 s1, s30  }
0x32: {  	s0 =	sor.u32 s3, s0;
	s1 =	sshll.u32 s1, $0x11  }
0x33: {  	s0 =	sor.u32 s1, s0  }
0x34: {  	s0 =	sadd.s32 $0x8F2B, s0  }
0x35: {  	[sflag:s0] =	ssyncadd.remote.s32 $0x1  }
0x36: {  	_ =	sfence.sel $0xFFFF  }
0x37: {  	[dreg:$0x0] =	wrdreg $0xFFFFFFFF;
	(pc) =	sbr.abs _section_cstart, $3  }
0x38: {  	[dreg:$0x1] =	wrdreg $0xFFFFFFFF  }
0x39: {  	_ =	task.clear_ibuf [dreg:s7], $0x2FFFF;
	_ =	strace $0x9FFFFFFF  }
0x3a: {  	(tm) =	ssettm $0x7FFFFFFF  }
0x3b: {  	_ =	shalt  }
tec
execute0_lowered:
.L_overlay_start_1:
0x0: {  	(tag) =	ssettag $0x1  }
0x1: {  	s0 =	srdreg.scid;
	s2 =	rddreg [dreg:$0x0]  }
0x2: {  	s5 =	rddreg [dreg:$0x1];
	s1 =	stileid.u32  }
0x3: {  	s4 =	simm.s32 $0x1;
	s6 =	simm.s32 $0x2;
	s15 =	simm.s32 $0x0  }
0x4: {  	p0 =	por $0x0, $0x0;
	s8 =	simm.s32 $0x80;
	s0 =	sshll.u32 s0, $0x4  }
0x5: {  	s14 =	simm.s32 $0x0;
	s9 =	simm.s32 $0x0;
	s3 =	sand.u32 $0x10, s0  }
.Ltmp0:
0x6: {  	s10 =	simm.s32 $0x0;
	s3 =	sor.u32 s1, s3;
	(pc) =	sbr.rel .LBB1_1-.Ltmp0, $4  }
0x7: {  	s0 =	rddreg [dreg:$0x2];
	_ =	strace $0x80000047;
	s3 =	sshll.u32 s3, $0x7  }
0x8: {  	s12 =	simm.s32 $0x0;
	[sflag:s4] =	ssyncpa.u1 $0x0;
	s7 =	ssub.s32 $0xF4200, s3  }
0x9: {  	s13 =	simm.s32 $0x0;
	[sflag:s6] =	ssyncpa.u1 $0x0;
	s6 =	sshrl.u32 s7, $0xC  }
0xa: {  	s5 =	sadd.s32 $0xA00, s5;
	s11 =	smov.u32 s3;
	s7 =	sadd.s32 $0x2, s6  }
.LBB1_5:
0xb: {  	p1 =	slt.u32 s13, $0x2  }
0xc: {  	s17 =	smov.u32 s15;
	p2 =	sgt.s32 @!p1 s15, $0xF41C0;
	s16 =	sshra.s32 @!p1 s15, $0x1F  }
0xd: {  	p3 =	sgt.s32 @!p1 s14, $0x40;
	s18 =	sshra.s32 @!p1 s14, $0x1F;
	p2 =	por !p2, p1  }
0xe: {  	s15 =	sand.u32 @!p1 s16, s15;
	p3 =	por !p3, p1;
	s16 =	smov.u32 s14  }
0xf: {  	s14 =	sand.u32 @!p1 s18, s14;
	s17 =	simm.s32 @p2 $0xF41C0;
	s16 =	simm.s32 @p3 $0x40  }
0x10: {  	s15 =	ssub.s32 @!p1 s17, s15;
	s14 =	ssub.s32 @!p1 s16, s14  }
0x11: {  	s18 =	smov.u32 s12;
	s16 =	sadd.s32 @!p1 $0xFFF0BE40, s15;
	s17 =	sadd.s32 @!p1 $0xFFFFFFC0, s14  }
0x12: {  	s15 =	ssub.s32 @!p1 $0xF4240, s15;
	p2 =	sgt.s32 @!p1 s16, $0x7F;
	p3 =	sgt.s32 @!p1 s17, $0x3F  }
0x13: {  	s14 =	ssub.s32 @!p1 $0x80, s14;
	p2 =	por !p2, p1;
	p3 =	por !p3, p1  }
0x14: {  	s16 =	sadd.s32 $0x1000, s11;
	s15 =	simm.s32 @!p2 $0x0;
	s14 =	simm.s32 @!p3 $0x0  }
0x15: {  	p2 =	sgt.s32 s16, $0xF423F;
	s14 =	smul.u32 @!p1 s14, s15;
	s15 =	sadd.s32 $0x40, s12  }
0x16: {  	s18 =	smov.u32 @p2 s15  }
0x17: {  	s16 =	smov.u32 @p2 s3;
	p2 =	sgt.s32 s18, $0x3F  }
0x18: {  	s18 =	simm.s32 @p2 $0x0;
	p2 =	sne.s32 s13, s7  }
.Ltmp1:
0x19: {  	p0 =	por !p0, !p0;
	s17 =	simm.s32 @!p1 $0x2;
	(pc) =	sbr.rel @!p2 .LBB1_6-.Ltmp1, $4  }
0x1a: {  	s15 =	smov.u32 s9;
	s9 =	smov.u32 s11;
	s14 =	sand.u32 @!p1 $0x3FFFFFFF, s14  }
0x1b: {  	s11 =	smov.u32 s16;
	_ =	swait.ge @!p1 [sflag:s17], s14;
	s19 =	ssub.s32 @!p1 $0x0, s14  }
0x1c: {  	s14 =	smov.u32 s10;
	s13 =	sadd.s32 $0x1, s13;
	[sflag:s17] =	ssyncset.done @!p1 $0x0  }
0x1d: {  	s10 =	smov.u32 s12;
	s12 =	smov.u32 s18;
	[sflag:s17] =	ssyncadd.s32 @!p1 s19  }
.LBB1_1:
0x1e: {  	p1 =	sgt.u32 s13, s6  }
0x1f: {  	s16 =	sshrl.u32 @!p1 s12, $0x3  }
0x20: {  	s17 =	sshll.u32 @!p1 s11, $0x3;
	s16 =	smul.u32 @!p1 $0x7A1400, s16  }
0x21: {  	s18 =	sshll.u32 @!p1 s12, $0x7;
	s17 =	sand.u32 @!p1 $0xFFFFFC00, s17  }
0x22: {  	s16 =	sadd.s32 @!p1 s16, s17;
	s17 =	sand.u32 @!p1 $0x380, s18  }
0x23: {  	s18 =	sand.u32 @!p1 $0x7F, s11;
	s16 =	sor.u32 @!p1 s17, s16  }
0x24: {  	s17 =	sor.u32 @!p1 s18, s16  }
0x25: {  	s18 =	smulhi.u32 @!p1 $0x218D6287, s17;
	_ =	sdelay $0x1  }
0x26: {  	s16 =	smulhi.u32 @!p1 $0x218D6287, s16;
	s18 =	sshrl.u32 @!p1 s18, $0x11  }
0x27: {  	s18 =	smul.u32 @!p1 $0xF4280, s18  }
0x28: {  	s19 =	sxor.u32 @!p1 $0xFFFFFFFF, s13;
	s16 =	sshrl.u32 @!p1 s16, $0x11  }
0x29: {  	s19 =	sshll.u32 @!p1 s19, $0xD;
	s16 =	sand.u32 @!p1 $0x3F, s16;
	s17 =	ssub.s32 @!p1 s17, s18  }
0x2a: {  	s16 =	smul.u32 @!p1 $0x1E850, s16;
	s18 =	sshrl.u32 @!p1 s17, $0x3;
	s17 =	sand.u32 @!p1 $0x7, s17  }
0x2b: {  	s19 =	sand.u32 @!p1 $0x2000, s19;
	s18 =	sadd.s32 @!p1 s2, s18;
	s17 =	sshll.u32 @!p1 s17, $0x12  }
0x2c: {  	s16 =	sadd.s32 @!p1 s16, s18;
	s17 =	sor.u32 @!p1 $0x400, s17;
	s18 =	simm.s32 @!p1 $0x7A1400  }
0x2d: {  	[tilespmem:s19], [sflag:$0x1] =	stream.strided.gather @!p1 [hbm4b:s16+s17], $0x2000, s18, s17, $0x38;
	[tilespmem:$0x8100] =	vst v63  }
0x2e: {  	p1 =	seq.s32 s13, $0x0  }
0x2f: {  	p2 =	sge.u32 @!p1 s13, s7  }
0x30: {  	p1 =	por p1, p2  }
.Ltmp2:
0x31: {  	_ = 	snop;
	(pc) =	sbr.rel @p1 .LBB1_5-.Ltmp2, $1  }
0x32: {  	_ =	sdelay $0x3  }
0x33: {  	s16 =	simm.s32 $0x1  }
0x34: {  	_ =	swait.ge [sflag:s4], $0x2000;
	s16 =	simm.s32 @!p0 $0x0  }
0x35: {  	[sflag:s4] =	ssyncset.done $0x0;
	s17 =	sshll.u32 s16, $0xD  }
0x36: {  	[sflag:s4] =	ssyncadd.s32 $0xFFFFE000;
	s17 =	sor.u32 $0x40, s17  }
0x37: {  	s16 =	smul.u32 $0x8200, s16;
	v0 =	vld [tilespmem:s17+$0x30]  }
0x38: {  	v1 =	vld [tilespmem:s17+$0xFFFFFFD0]  }
0x39: {  	s16 =	sshrl.u32 s16, $0x2;
	v5 =	vld [tilespmem:s17+$0xFFFFFFE0]  }
0x3a: {  	v6 =	vld [tilespmem:s17+$0xFFFFFFF0];
	s19 =	sor.u32 $0x4000, s16  }
0x3b: {  	s31 =	sand.u32 $0x1, s13;
	v4 =	vld [tilespmem:s17+$0x0];
	s18 =	sadd.s32 $0x0, s19  }
0x3c: {  	v3 =	vld [tilespmem:s17+$0x10];
	s16 =	smul.u32 $0x8200, s31;
	[tilespmem:s18+$0x1C70 ss:$0x41] =	vst.msk $0xffff, v0  }
0x3d: {  	v2 =	vld [tilespmem:s17+$0x20];
	[tilespmem:s18+$0x410 ss:$0x41] =	vst.msk $0xffff, v1  }
0x3e: {  	s16 =	sshrl.u32 s16, $0x2;
	v1 =	vld [tilespmem:s17+$0xFFFFFFC0];
	[tilespmem:s18+$0x820 ss:$0x41] =	vst.msk $0xffff, v5;
	s17 =	sadd.s32 $0x80, s17  }
0x3f: {  	s20 =	simm.s32 $0x4;
	s21 =	simm.s32 $0x8;
	s16 =	sor.u32 $0x4000, s16;
	[tilespmem:s18+$0xC30 ss:$0x41] =	vst.msk $0xffff, v6;
	v0 =	vld [tilespmem:s17+$0x30]  }
.LBB1_3:
0x40: {  	p1 =	sne.s32 s21, $0xFC;
	v5 =	vld [tilespmem:s17+$0xFFFFFFD0];
	[tilespmem:s18+$0x1040 ss:$0x41] =	vst.msk $0xffff, v4  }
0x41: {  	v6 =	vld [tilespmem:s17+$0xFFFFFFE0];
	[tilespmem:s18+$0x1450 ss:$0x41] =	vst.msk $0xffff, v3  }
0x42: {  	s22 =	sshra.s32 s20, $0x2;
	s20 =	smov.u32 s21;
	v7 =	vld [tilespmem:s17+$0xFFFFFFF0];
	[tilespmem:s18+$0x1860 ss:$0x41] =	vst.msk $0xffff, v2  }
.Ltmp3:
0x43: {  	v4 =	vld [tilespmem:s17+$0x0];
	[tilespmem:s18+$0x0 ss:$0x41] =	vst.msk $0xffff, v1;
	s18 =	sadd.s32 s22, s19;
	(pc) =	sbr.rel @p1 .LBB1_3-.Ltmp3, $4  }
0x44: {  	v3 =	vld [tilespmem:s17+$0x10];
	[tilespmem:s18+$0x1C70 ss:$0x41] =	vst.msk $0xffff, v0  }
0x45: {  	[tilespmem:s18+$0x410 ss:$0x41] =	vst.msk $0xffff, v5;
	v2 =	vld [tilespmem:s17+$0x20]  }
0x46: {  	v1 =	vld [tilespmem:s17+$0xFFFFFFC0];
	[tilespmem:s18+$0x820 ss:$0x41] =	vst.msk $0xffff, v6;
	s17 =	sadd.s32 $0x80, s17  }
0x47: {  	s21 =	sadd.s32 $0x4, s21;
	v0 =	vld [tilespmem:s17+$0x30];
	[tilespmem:s18+$0xC30 ss:$0x41] =	vst.msk $0xffff, v7  }
0x48: {  	s21 =	sshll.u32 s9, $0x7;
	s22 =	sshll.u32 s10, $0x3;
	s20 =	sshra.s32 s20, $0x2  }
0x49: {  	p1 =	sgt.s32 s9, $0xF41C0;
	s30 =	sshra.s32 s9, $0x1F;
	s25 =	sshra.s32 s10, $0x1F  }
0x4a: {  	v5 =	vld [tilespmem:s17+$0xFFFFFFD0];
	s28 =	sshrl.u32 s10, $0x3;
	s23 =	sand.u32 $0xFFFFFC00, s21;
	s22 =	sand.u32 $0xFFFFFC00, s22  }
0x4b: {  	[tilespmem:s18+$0x1040 ss:$0x41] =	vst.msk $0xffff, v4;
	v58 =	vld [tilespmem:s17+$0xFFFFFFE0];
	s21 =	sand.u32 $0x380, s21;
	s19 =	sadd.s32 s20, s19;
	s22 =	sadd.s32 s22, s23  }
0x4c: {  	v59 =	vld [tilespmem:s17+$0xFFFFFFF0];
	[tilespmem:s18+$0x1450 ss:$0x41] =	vst.msk $0xffff, v3;
	s29 =	sor.u32 s21, s22;
	s21 =	smov.u32 s9;
	s22 =	sand.u32 s30, s9  }
0x4d: {  	v60 =	vld [tilespmem:s17+$0x0];
	[tilespmem:s18+$0x1860 ss:$0x41] =	vst.msk $0xffff, v2;
	s30 =	sand.u32 $0x7, s10;
	s20 =	sshrl.u32 s29, $0x7;
	s21 =	simm.s32 @!p1 $0xF41C0  }
0x4e: {  	v61 =	vld [tilespmem:s17+$0x10];
	[tilespmem:s18+$0x0 ss:$0x41] =	vst.msk $0xffff, v1;
	p1 =	sgt.s32 s10, $0x40;
	s24 =	ssub.s32 s21, s22;
	s21 =	smov.u32 s10  }
0x4f: {  	v62 =	vld [tilespmem:s17+$0x20];
	[tilespmem:s19+$0x1C70 ss:$0x41] =	vst.msk $0xffff, v0;
	s31 =	smulhi.u32 $0x218DEF5, s20;
	s22 =	sand.u32 s25, s10;
	s21 =	simm.s32 @!p1 $0x40  }
0x50: {  	v63 =	vld [tilespmem:s17+$0xFFFFFFC0];
	[tilespmem:s19+$0x410 ss:$0x41] =	vst.msk $0xffff, v5;
	s26 =	sadd.s32 $0xFFF0BE40, s24;
	s17 =	ssub.s32 $0xF4240, s24;
	s21 =	ssub.s32 s21, s22  }
0x51: {  	[tilespmem:s19+$0x820 ss:$0x41] =	vst.msk $0xffff, v58;
	s23 =	sshrl.u32 s31, $0xD;
	p1 =	sgt.s32 s26, $0x7F;
	s27 =	sadd.s32 $0xFFFFFFC0, s21  }
0x52: {  	[tilespmem:s19+$0xC30 ss:$0x41] =	vst.msk $0xffff, v59;
	s23 =	smul.u32 $0xF4240, s23;
	s18 =	ssub.s32 $0x80, s21;
	p2 =	sgt.s32 s27, $0x3F  }
.Ltmp4:
0x53: {  	[tilespmem:s19+$0x1040 ss:$0x41] =	vst.msk $0xffff, v60;
	s17 =	simm.s32 @p1 $0x0;
	s18 =	simm.s32 @p2 $0x0;
	(pc) =	sbr.rel .LBB1_5-.Ltmp4, $4  }
0x54: {  	s29 =	sand.u32 $0xF, s28;
	[tilespmem:s19+$0x1450 ss:$0x41] =	vst.msk $0xffff, v61;
	s20 =	ssub.s32 s20, s23;
	s17 =	smul.u32 s18, s17  }
0x55: {  	[tilespmem:s19+$0x1860 ss:$0x41] =	vst.msk $0xffff, v62;
	s21 =	sshll.u32 s30, $0x12;
	s20 =	sshll.u32 s20, $0x4;
	s18 =	sadd.s32 s5, s29  }
0x56: {  	[tilespmem:s19+$0x0 ss:$0x41] =	vst.msk $0xffff, v63;
	s31 =	sor.u32 $0x40, s21;
	s18 =	sadd.s32 s20, s18;
	s17 =	sand.u32 $0x3FFFFFFF, s17  }
0x57: {  	[hbm4b:s18+s31] =	stream.strided.scatter [tilespmem:s16], [sflag:$0x2], s17, s8, s31, $0x18;
	[tilespmem:$0x8100] =	vst v63  }
.LBB1_6:
0x58: {  	_ =	sfence.sel $0x180000  }
0x59: {  	s2 =	simm.s32 $0x1;
	[bflag:$0x0] =	sbarrier.arrive $0xFFFF  }
0x5a: {  	s31 =	simm.s32 $0x2;
	[sflag:s2] =	ssyncpa.u1 $0x1  }
0x5b: {  	[sflag:s31] =	ssyncpa.u1 $0x1  }
0x5c: {  	p0 =	sne.s32 s1, $0x0;
	_ =	strace $0x90000047  }
0x5d: {  	s0 =	sadd.s32 @!p0 $0x100000, s0;
	[bflag:$0x2] =	sbarrier.arrive $0xFFFF  }
0x5e: {  	[sflag:s0] =	ssyncadd.tile.s32 @!p0 $0x1;
	_ =	shalt  }
.Lfunc_end1:
_tile_overlayer_lowered:
.L_overlay_start_2:
0x5f: {  	(tag) =	ssettag $0x2  }
0x60: {  	s0 =	rddreg [dreg:$0x0];
	s2 =	stileid.u32  }
0x61: {  	s1 =	rddreg [dreg:$0x1];
	p0 =	sne.s32 s2, $0x0  }
0x62: {  	s3 =	rddreg [dreg:$0x2];
	[bflag:$0x3] =	sbarrier.arrive $0xFFFF;
	s2 =	simm.s32 @!p0 $0x1C01  }
0x63: {  	[timem:s3], [sflag:s2] =	dma.local @!p0 [hbm:s0], s1  }
0x64: {  	s0 =	simm.s32 @!p0 $0x1  }
0x65: {  	_ =	swait.ge @!p0 [sflag:s0], s1  }
0x66: {  	s1 =	ssub.s32 @!p0 $0x0, s1;
	[sflag:s0] =	ssyncset.done @!p0 $0x0  }
0x67: {  	[sflag:s0] =	ssyncadd.s32 @!p0 s1  }
0x68: {  	[bflag:$0x3] =	sbarrier.arrive $0xFFFF  }
0x69: {  	_ =	shalt  }

</sc_bundles>
